<compile_context>
chip_gen: v7x
topology: tpu7x:2x2x1
jax: 0.10.2.dev20260603
libtpu: 0.0.44.dev20260713+nightly
codegen_flags: <defaults>
</compile_context>

<pallas_src>
import functools
import math

import jax
import jax.numpy as jnp
from jax import lax
from jax.experimental import pallas as pl
from jax.experimental.pallas import tpu as pltpu
from jax.experimental.pallas import tpu_sc as plsc

BLK1 = 256
BLK2 = 512
KA = 9
KPAD = 16


def _bf16rn(a):
    u = lax.bitcast_convert_type(a, jnp.uint32)
    r = (u >> 16) & jnp.uint32(1)
    u2 = (u + jnp.uint32(0x7FFF) + r) & jnp.uint32(0xFFFF0000)
    return lax.bitcast_convert_type(u2, jnp.float32)


def _topk_qkv_body(cr_ref, cc_ref, x_ref, w_ref, q_ref, kv_ref, idx_ref):
    b = pl.program_id(0)
    n_total = cc_ref.shape[2]
    qkv = jnp.dot(x_ref[0], w_ref[...], preferred_element_type=jnp.float32)
    d_model = x_ref.shape[2]
    q_ref[0] = qkv[:, :d_model]
    kv_ref[0] = qkv[:, d_model:]

    crow = cr_ref[0]
    cxr = crow[:, 0:1]
    cyr = crow[:, 1:2]
    cx = cc_ref[0, 0:1, :]
    cy = cc_ref[0, 1:2, :]
    sqr = cxr * cxr + cyr * cyr
    sqc = cx * cx + cy * cy
    cb_r = _bf16rn(crow).astype(jnp.bfloat16)
    cb_c = _bf16rn(cc_ref[0]).astype(jnp.bfloat16)
    prod = jnp.dot(cb_r, cb_c, preferred_element_type=jnp.float32)
    d2 = (sqr + sqc) - 2.0 * prod
    dist = jnp.maximum(d2, jnp.float32(1e-12))

    colid = lax.broadcasted_iota(jnp.int32, dist.shape, 1).astype(jnp.float32)
    lane16 = lax.broadcasted_iota(jnp.int32, (dist.shape[0], KPAD), 1)
    acc = jnp.zeros((dist.shape[0], KPAD), jnp.int32)
    nf = jnp.float32(n_total)
    d = dist
    for t in range(KA):
        m = jnp.min(d, axis=1, keepdims=True)
        hit = jnp.where(d == m, colid, nf)
        idxv = jnp.min(hit, axis=1, keepdims=True)
        acc = jnp.where(lane16 == t,
                        idxv.astype(jnp.int32) + b * n_total, acc)
        d = jnp.where(colid == idxv, jnp.float32(jnp.inf), d)
    idx_ref[0] = acc


def _topk_qkv(coords, coords_t, x, w_qkv):
    B, N, D = x.shape
    grid = (B, N // BLK1)
    return pl.pallas_call(
        _topk_qkv_body,
        grid=grid,
        in_specs=[
            pl.BlockSpec((1, BLK1, 2), lambda b, i: (b, i, 0)),
            pl.BlockSpec((1, 2, N), lambda b, i: (b, 0, 0)),
            pl.BlockSpec((1, BLK1, D), lambda b, i: (b, i, 0)),
            pl.BlockSpec((D, 3 * D), lambda b, i: (0, 0)),
        ],
        out_specs=[
            pl.BlockSpec((1, BLK1, D), lambda b, i: (b, i, 0)),
            pl.BlockSpec((1, BLK1, 2 * D), lambda b, i: (b, i, 0)),
            pl.BlockSpec((1, BLK1, KPAD), lambda b, i: (b, i, 0)),
        ],
        out_shape=[
            jax.ShapeDtypeStruct((B, N, D), jnp.float32),
            jax.ShapeDtypeStruct((B, N, 2 * D), jnp.float32),
            jax.ShapeDtypeStruct((B, N, KPAD), jnp.int32),
        ],
        compiler_params=pltpu.CompilerParams(
            dimension_semantics=("parallel", "parallel")),
    )(coords, coords_t, x, w_qkv)


def _sc_gather(kv_flat, idx_flat):
    rows, width = idx_flat.shape[0], kv_flat.shape[1]
    info = plsc.get_sparse_core_info()
    nc, ns = info.num_cores, info.num_subcores
    nw = nc * ns
    rpw = rows // nw
    ch = 128
    nchunk = rpw // ch
    mesh = plsc.VectorSubcoreMesh(core_axis_name="c", subcore_axis_name="s")

    @functools.partial(
        pl.kernel,
        mesh=mesh,
        out_type=jax.ShapeDtypeStruct((rows, width), jnp.float32),
        scratch_types=[
            pltpu.VMEM((ch,), jnp.int32),
            pltpu.VMEM((ch, width), jnp.float32),
            pltpu.SemaphoreType.DMA,
        ],
    )
    def gk(kv_hbm, idx_hbm, out_hbm, idx_v, rows_v, sem):
        wid = lax.axis_index("s") * nc + lax.axis_index("c")
        base = wid * rpw

        def body(i, carry):
            off = base + i * ch
            pltpu.sync_copy(idx_hbm.at[pl.ds(off, ch)], idx_v)
            pltpu.async_copy(kv_hbm.at[idx_v], rows_v, sem).wait()
            pltpu.sync_copy(rows_v, out_hbm.at[pl.ds(off, ch)])
            return carry

        lax.fori_loop(0, nchunk, body, 0)

    return gk(kv_flat, idx_flat)


def _attn_body(q_ref, kvg_ref, x_ref, wp_ref, bp_ref, o_ref):
    blk, d_model = q_ref.shape[1], q_ref.shape[2]
    heads = 4
    hd = d_model // heads
    q = q_ref[0]
    r128 = lax.broadcasted_iota(jnp.int32, (d_model, heads), 0)
    c4 = lax.broadcasted_iota(jnp.int32, (d_model, heads), 1)
    sel = (r128 // hd == c4).astype(jnp.float32)
    r4 = lax.broadcasted_iota(jnp.int32, (heads, d_model), 0)
    c128 = lax.broadcasted_iota(jnp.int32, (heads, d_model), 1)
    selt = (c128 // hd == r4).astype(jnp.float32)

    scale = 1.0 / math.sqrt(hd)
    s = []
    for j in range(KA):
        kj = kvg_ref[j, 0, :, :d_model]
        s.append(jnp.dot(q * kj, sel,
                         preferred_element_type=jnp.float32) * scale)
    m = s[0]
    for j in range(1, KA):
        m = jnp.maximum(m, s[j])
    e = [jnp.exp(sj - m) for sj in s]
    den = e[0]
    for j in range(1, KA):
        den = den + e[j]
    inv = 1.0 / den
    out = jnp.zeros((blk, d_model), jnp.float32)
    for j in range(KA):
        wj = e[j] * inv
        wb = jnp.dot(wj, selt, preferred_element_type=jnp.float32)
        vj = kvg_ref[j, 0, :, d_model:]
        out = out + wb * vj
    g = out * 0.5 * (1.0 + lax.erf(out * (1.0 / math.sqrt(2.0))))
    res = jnp.dot(g, wp_ref[...], preferred_element_type=jnp.float32)
    o_ref[0] = x_ref[0] + res + bp_ref[...]


def _attn(q, kvg, x, w_proj, b_proj2):
    B, N, D = x.shape
    grid = (B, N // BLK2)
    return pl.pallas_call(
        _attn_body,
        grid=grid,
        in_specs=[
            pl.BlockSpec((1, BLK2, D), lambda b, i: (b, i, 0)),
            pl.BlockSpec((KA, 1, BLK2, 2 * D), lambda b, i: (0, b, i, 0)),
            pl.BlockSpec((1, BLK2, D), lambda b, i: (b, i, 0)),
            pl.BlockSpec((D, D), lambda b, i: (0, 0)),
            pl.BlockSpec((1, D), lambda b, i: (0, 0)),
        ],
        out_specs=pl.BlockSpec((1, BLK2, D), lambda b, i: (b, i, 0)),
        out_shape=jax.ShapeDtypeStruct((B, N, D), jnp.float32),
        compiler_params=pltpu.CompilerParams(
            dimension_semantics=("parallel", "parallel")),
    )(q, kvg, x, w_proj, b_proj2)


def kernel(x, coords, W_qkv, W_proj, b_proj):
    B, N, D = x.shape
    coords_t = coords.transpose(0, 2, 1)
    bp2 = b_proj.reshape(1, D)
    outs = []
    for b in range(B):
        xb = x[b:b + 1]
        q, kv, idx16 = _topk_qkv(coords[b:b + 1], coords_t[b:b + 1], xb, W_qkv)
        idxf = jnp.transpose(idx16[:, :, :KA], (2, 0, 1)).reshape(-1)
        kvg = _sc_gather(kv.reshape(N, 2 * D), idxf)
        kvg = kvg.reshape(KA, 1, N, 2 * D)
        outs.append(_attn(q, kvg, xb, W_proj, bp2))
    return jnp.concatenate(outs, axis=0)

# --- scband reference (transcript-rebuilt; emitter-appended) ---
"""Pipeline reference for scband-graph-patch-mixer-52072183497307 (READ-ONLY COPY).

The authoritative reference and input builder live on the scoring server;
editing this copy changes nothing except your own understanding.
"""

import jax, jax.numpy as jnp
import numpy as np


def setup_inputs(seed: int = 0) -> dict:
    key = jax.random.key(seed)
    k1, k2, k3, k4 = jax.random.split(key, 4)
    B, N, D = 4, 4096, 128
    x = jax.random.normal(k1, (B, N, D), dtype=jnp.float32)
    coords = jax.random.uniform(k2, (B, N, 2), dtype=jnp.float32) * 100.0
    W_qkv = jax.random.normal(k3, (D, 3 * D), dtype=jnp.float32) * (1.0 / np.sqrt(D))
    W_proj = jax.random.normal(k4, (D, D), dtype=jnp.float32) * (1.0 / np.sqrt(D))
    b_proj = jnp.zeros((D,), dtype=jnp.float32)
    return {"x": x, "coords": coords, "W_qkv": W_qkv, "W_proj": W_proj, "b_proj": b_proj}


def reference(x, coords, W_qkv, W_proj, b_proj):
    B, N, D = x.shape
    heads = 4
    hd = D // heads
    kk = 8
    ka = min(kk + 1, N)
    # pairwise distances (cdist), mask=None path
    sq = jnp.sum(coords * coords, axis=-1)
    d2 = sq[:, :, None] + sq[:, None, :] - 2.0 * jnp.einsum('bnc,bmc->bnm', coords, coords)
    dist = jnp.sqrt(jnp.maximum(d2, 1e-12))
    _, nn_idx = jax.lax.top_k(-dist, ka)  # (B, N, ka) nearest neighbors incl. self
    bidx = jnp.arange(B)[:, None, None]
    x_nb = x[bidx, nn_idx, :]  # (B, N, ka, D) gather
    qkv_c = x @ W_qkv  # (B, N, 3D)
    q_c = qkv_c[..., :D]
    qkv_n = x_nb @ W_qkv  # (B, N, ka, 3D)
    k_n = qkv_n[..., D:2 * D]
    v_n = qkv_n[..., 2 * D:]
    q = q_c.reshape(B, N, heads, hd)[:, :, :, None, :]          # (B,N,H,1,hd)
    k_ = k_n.reshape(B, N, ka, heads, hd).transpose(0, 1, 3, 2, 4)  # (B,N,H,ka,hd)
    v_ = v_n.reshape(B, N, ka, heads, hd).transpose(0, 1, 3, 2, 4)  # (B,N,H,ka,hd)
    attn = jnp.sum(q * k_, axis=-1) / (hd ** 0.5)  # (B,N,H,ka)
    attn = jax.nn.softmax(attn, axis=-1)
    out = jnp.sum(attn[..., None] * v_, axis=-2)  # (B,N,H,hd)
    out = out.reshape(B, N, D)
    out = jax.nn.gelu(out, approximate=False) @ W_proj + b_proj
    return x + out

if __name__ == "__main__":
    import jax
    _d = setup_inputs()
    print(jax.jit(kernel)(*tuple(_d.values())))

</pallas_src>

<mosaic_0001>
#map = affine_map<(d0, d1) -> (0, 0)>
#map1 = affine_map<(d0, d1) -> (0)>
module attributes {stable_mosaic.version = 14 : i64} {
  func.func @gk(%arg0: i32, %arg1: i32, %arg2: memref<4096x256xf32, #tpu.memory_space<hbm>>, %arg3: memref<36864xi32, #tpu.memory_space<hbm>>, %arg4: memref<36864x256xf32, #tpu.memory_space<hbm>>, %arg5: memref<128xi32, #tpu.memory_space<vmem>>, %arg6: memref<128x256xf32, #tpu.memory_space<vmem>>, %arg7: memref<!tpu.dma_semaphore, #tpu.memory_space<semaphore_mem>>) attributes {dimension_semantics = [#tpu.dimension_semantics<core_parallel>, #tpu.dimension_semantics<subcore_parallel>], iteration_bounds = array<i64: 2, 16>, scalar_prefetch = 0 : i64, scratch_operands = 3 : i64, tpu.core_type = #tpu.core_type<sc_vector_subcore>, window_params = [{transform_indices = #map}, {transform_indices = #map1}, {transform_indices = #map}]} {
    %mul3A = arith.constant 2 : i32
    %mul3A_0 = arith.muli %arg1, %mul3A : i32
    %add3A = arith.addi %mul3A_0, %arg0 : i32
    %mul3A_1 = arith.constant 1152 : i32
    %mul3A_2 = arith.muli %add3A, %mul3A_1 : i32
    %scan3A = arith.constant 0 : i32
    %scan3A_3 = arith.constant 0 : i32
    %scan3A_4 = arith.constant 9 : i32
    %scan3A_5 = arith.addi %scan3A_3, %scan3A_4 : i32
    %scan3A_6 = arith.constant 1 : i32
    scf.for %scan3A_8 = %scan3A_3 to %scan3A_5 step %scan3A_6  : i32 {
      %mul3A_9 = arith.constant 128 : i32
      %mul3A_10 = arith.muli %scan3A_8, %mul3A_9 : i32
      %add3A_11 = arith.addi %mul3A_2, %mul3A_10 : i32
      "tpu.region"() ({
        %run_scoped3A = tpu.sem_alloc : memref<!tpu.dma_semaphore, #tpu.memory_space<semaphore_mem>>
        %dma_start3A_16 = tpu.memref_slice %arg3[%add3A_11] : memref<36864xi32, #tpu.memory_space<hbm>> -> memref<128xi32, #tpu.memory_space<hbm>>
        %dma_start3A_17 = tpu.memref_slice %arg3[%add3A_11] : memref<36864xi32, #tpu.memory_space<hbm>> -> memref<128xi32, #tpu.memory_space<hbm>>
        tpu.enqueue_dma source(%dma_start3A_17 : memref<128xi32, #tpu.memory_space<hbm>>) target(%arg5 : memref<128xi32, #tpu.memory_space<vmem>>) target_semaphore(%run_scoped3A : memref<!tpu.dma_semaphore, #tpu.memory_space<semaphore_mem>>)
        %dma_wait3A_18 = tpu.memref_slice %arg3[%add3A_11] : memref<36864xi32, #tpu.memory_space<hbm>> -> memref<128xi32, #tpu.memory_space<hbm>>
        %dma_wait3A_19 = tpu.memref_slice %arg3[%add3A_11] : memref<36864xi32, #tpu.memory_space<hbm>> -> memref<128xi32, #tpu.memory_space<hbm>>
        tpu.wait_dma2 semaphore(%run_scoped3A : memref<!tpu.dma_semaphore, #tpu.memory_space<semaphore_mem>>) src(%dma_wait3A_19 : memref<128xi32, #tpu.memory_space<hbm>>) dst(%arg5 : memref<128xi32, #tpu.memory_space<vmem>>)
        tpu.yield
      }) : () -> ()
      %dma_start3A = arith.constant 0 : i32
      %dma_start3A_12 = arith.constant 0 : i32
      %dma_start3A_13 = tpu.memref_slice %arg2[%dma_start3A, %dma_start3A_12] : memref<4096x256xf32, #tpu.memory_space<hbm>> -> memref<4096x256xf32, #tpu.memory_space<hbm>>
      tpu.enqueue_indirect_dma source(%dma_start3A_13 : memref<4096x256xf32, #tpu.memory_space<hbm>>) target(%arg6 : memref<128x256xf32, #tpu.memory_space<vmem>>) offsets(%arg5 : memref<128xi32, #tpu.memory_space<vmem>>) semaphore(%arg7 : memref<!tpu.dma_semaphore, #tpu.memory_space<semaphore_mem>>)
      %dma_wait3A = arith.constant 0 : i32
      %dma_wait3A_14 = arith.constant 0 : i32
      %dma_wait3A_15 = tpu.memref_slice %arg2[%dma_wait3A, %dma_wait3A_14] : memref<4096x256xf32, #tpu.memory_space<hbm>> -> memref<4096x256xf32, #tpu.memory_space<hbm>>
      tpu.wait_indirect_dma semaphore(%arg7 : memref<!tpu.dma_semaphore, #tpu.memory_space<semaphore_mem>>) src(%dma_wait3A_15 : memref<4096x256xf32, #tpu.memory_space<hbm>>) dst(%arg6 : memref<128x256xf32, #tpu.memory_space<vmem>>)
      "tpu.region"() ({
        %run_scoped3A = tpu.sem_alloc : memref<!tpu.dma_semaphore, #tpu.memory_space<semaphore_mem>>
        %dma_start3A_16 = arith.constant 0 : i32
        %dma_start3A_17 = tpu.memref_slice %arg4[%add3A_11, %dma_start3A_16] : memref<36864x256xf32, #tpu.memory_space<hbm>> -> memref<128x256xf32, #tpu.memory_space<hbm>>
        %dma_start3A_18 = arith.constant 0 : i32
        %dma_start3A_19 = tpu.memref_slice %arg4[%add3A_11, %dma_start3A_18] : memref<36864x256xf32, #tpu.memory_space<hbm>> -> memref<128x256xf32, #tpu.memory_space<hbm>>
        tpu.enqueue_dma source(%arg6 : memref<128x256xf32, #tpu.memory_space<vmem>>) target(%dma_start3A_19 : memref<128x256xf32, #tpu.memory_space<hbm>>) target_semaphore(%run_scoped3A : memref<!tpu.dma_semaphore, #tpu.memory_space<semaphore_mem>>)
        %dma_wait3A_20 = arith.constant 0 : i32
        %dma_wait3A_21 = tpu.memref_slice %arg4[%add3A_11, %dma_wait3A_20] : memref<36864x256xf32, #tpu.memory_space<hbm>> -> memref<128x256xf32, #tpu.memory_space<hbm>>
        %dma_wait3A_22 = arith.constant 0 : i32
        %dma_wait3A_23 = tpu.memref_slice %arg4[%add3A_11, %dma_wait3A_22] : memref<36864x256xf32, #tpu.memory_space<hbm>> -> memref<128x256xf32, #tpu.memory_space<hbm>>
        tpu.wait_dma2 semaphore(%run_scoped3A : memref<!tpu.dma_semaphore, #tpu.memory_space<semaphore_mem>>) src(%arg6 : memref<128x256xf32, #tpu.memory_space<vmem>>) dst(%dma_wait3A_23 : memref<128x256xf32, #tpu.memory_space<hbm>>)
        tpu.yield
      }) : () -> ()
    }
    %scan3A_7 = arith.constant 9 : i32
    return
  }
}

#map = affine_map<(d0, d1) -> (0, 0)>
#map1 = affine_map<(d0, d1) -> (0)>
module attributes {stable_mosaic.version = 14 : i64} {
  func.func @gk(%arg0: i32, %arg1: i32, %arg2: memref<4096x256xf32, #tpu.memory_space<hbm>>, %arg3: memref<36864xi32, #tpu.memory_space<hbm>>, %arg4: memref<36864x256xf32, #tpu.memory_space<hbm>>, %arg5: memref<128xi32, #tpu.memory_space<vmem>>, %arg6: memref<128x256xf32, #tpu.memory_space<vmem>>, %arg7: memref<!tpu.dma_semaphore, #tpu.memory_space<semaphore_mem>>) attributes {dimension_semantics = [#tpu.dimension_semantics<core_parallel>, #tpu.dimension_semantics<subcore_parallel>], iteration_bounds = array<i64: 2, 16>, scalar_prefetch = 0 : i64, scratch_operands = 3 : i64, tpu.core_type = #tpu.core_type<sc_vector_subcore>, window_params = [{transform_indices = #map}, {transform_indices = #map1}, {transform_indices = #map}]} {
    %mul3A = arith.constant 2 : i32
    %mul3A_0 = arith.muli %arg1, %mul3A : i32
    %add3A = arith.addi %mul3A_0, %arg0 : i32
    %mul3A_1 = arith.constant 1152 : i32
    %mul3A_2 = arith.muli %add3A, %mul3A_1 : i32
    %scan3A = arith.constant 0 : i32
    %scan3A_3 = arith.constant 0 : i32
    %scan3A_4 = arith.constant 9 : i32
    %scan3A_5 = arith.addi %scan3A_3, %scan3A_4 : i32
    %scan3A_6 = arith.constant 1 : i32
    scf.for %scan3A_8 = %scan3A_3 to %scan3A_5 step %scan3A_6  : i32 {
      %mul3A_9 = arith.constant 128 : i32
      %mul3A_10 = arith.muli %scan3A_8, %mul3A_9 : i32
      %add3A_11 = arith.addi %mul3A_2, %mul3A_10 : i32
      "tpu.region"() ({
        %run_scoped3A = tpu.sem_alloc : memref<!tpu.dma_semaphore, #tpu.memory_space<semaphore_mem>>
        %dma_start3A_16 = tpu.memref_slice %arg3[%add3A_11] : memref<36864xi32, #tpu.memory_space<hbm>> -> memref<128xi32, #tpu.memory_space<hbm>>
        %dma_start3A_17 = tpu.memref_slice %arg3[%add3A_11] : memref<36864xi32, #tpu.memory_space<hbm>> -> memref<128xi32, #tpu.memory_space<hbm>>
        tpu.enqueue_dma source(%dma_start3A_17 : memref<128xi32, #tpu.memory_space<hbm>>) target(%arg5 : memref<128xi32, #tpu.memory_space<vmem>>) target_semaphore(%run_scoped3A : memref<!tpu.dma_semaphore, #tpu.memory_space<semaphore_mem>>)
        %dma_wait3A_18 = tpu.memref_slice %arg3[%add3A_11] : memref<36864xi32, #tpu.memory_space<hbm>> -> memref<128xi32, #tpu.memory_space<hbm>>
        %dma_wait3A_19 = tpu.memref_slice %arg3[%add3A_11] : memref<36864xi32, #tpu.memory_space<hbm>> -> memref<128xi32, #tpu.memory_space<hbm>>
        tpu.wait_dma2 semaphore(%run_scoped3A : memref<!tpu.dma_semaphore, #tpu.memory_space<semaphore_mem>>) src(%dma_wait3A_19 : memref<128xi32, #tpu.memory_space<hbm>>) dst(%arg5 : memref<128xi32, #tpu.memory_space<vmem>>)
        tpu.yield
      }) : () -> ()
      %dma_start3A = arith.constant 0 : i32
      %dma_start3A_12 = arith.constant 0 : i32
      %dma_start3A_13 = tpu.memref_slice %arg2[%dma_start3A, %dma_start3A_12] : memref<4096x256xf32, #tpu.memory_space<hbm>> -> memref<4096x256xf32, #tpu.memory_space<hbm>>
      tpu.enqueue_indirect_dma source(%dma_start3A_13 : memref<4096x256xf32, #tpu.memory_space<hbm>>) target(%arg6 : memref<128x256xf32, #tpu.memory_space<vmem>>) offsets(%arg5 : memref<128xi32, #tpu.memory_space<vmem>>) semaphore(%arg7 : memref<!tpu.dma_semaphore, #tpu.memory_space<semaphore_mem>>)
      %dma_wait3A = arith.constant 0 : i32
      %dma_wait3A_14 = arith.constant 0 : i32
      %dma_wait3A_15 = tpu.memref_slice %arg2[%dma_wait3A, %dma_wait3A_14] : memref<4096x256xf32, #tpu.memory_space<hbm>> -> memref<4096x256xf32, #tpu.memory_space<hbm>>
      tpu.wait_indirect_dma semaphore(%arg7 : memref<!tpu.dma_semaphore, #tpu.memory_space<semaphore_mem>>) src(%dma_wait3A_15 : memref<4096x256xf32, #tpu.memory_space<hbm>>) dst(%arg6 : memref<128x256xf32, #tpu.memory_space<vmem>>)
      "tpu.region"() ({
        %run_scoped3A = tpu.sem_alloc : memref<!tpu.dma_semaphore, #tpu.memory_space<semaphore_mem>>
        %dma_start3A_16 = arith.constant 0 : i32
        %dma_start3A_17 = tpu.memref_slice %arg4[%add3A_11, %dma_start3A_16] : memref<36864x256xf32, #tpu.memory_space<hbm>> -> memref<128x256xf32, #tpu.memory_space<hbm>>
        %dma_start3A_18 = arith.constant 0 : i32
        %dma_start3A_19 = tpu.memref_slice %arg4[%add3A_11, %dma_start3A_18] : memref<36864x256xf32, #tpu.memory_space<hbm>> -> memref<128x256xf32, #tpu.memory_space<hbm>>
        tpu.enqueue_dma source(%arg6 : memref<128x256xf32, #tpu.memory_space<vmem>>) target(%dma_start3A_19 : memref<128x256xf32, #tpu.memory_space<hbm>>) target_semaphore(%run_scoped3A : memref<!tpu.dma_semaphore, #tpu.memory_space<semaphore_mem>>)
        %dma_wait3A_20 = arith.constant 0 : i32
        %dma_wait3A_21 = tpu.memref_slice %arg4[%add3A_11, %dma_wait3A_20] : memref<36864x256xf32, #tpu.memory_space<hbm>> -> memref<128x256xf32, #tpu.memory_space<hbm>>
        %dma_wait3A_22 = arith.constant 0 : i32
        %dma_wait3A_23 = tpu.memref_slice %arg4[%add3A_11, %dma_wait3A_22] : memref<36864x256xf32, #tpu.memory_space<hbm>> -> memref<128x256xf32, #tpu.memory_space<hbm>>
        tpu.wait_dma2 semaphore(%run_scoped3A : memref<!tpu.dma_semaphore, #tpu.memory_space<semaphore_mem>>) src(%arg6 : memref<128x256xf32, #tpu.memory_space<vmem>>) dst(%dma_wait3A_23 : memref<128x256xf32, #tpu.memory_space<hbm>>)
        tpu.yield
      }) : () -> ()
    }
    %scan3A_7 = arith.constant 9 : i32
    return
  }
}

#map = affine_map<(d0, d1) -> (0, 0)>
#map1 = affine_map<(d0, d1) -> (0)>
module attributes {stable_mosaic.version = 14 : i64} {
  func.func @gk(%arg0: i32, %arg1: i32, %arg2: memref<4096x256xf32, #tpu.memory_space<hbm>>, %arg3: memref<36864xi32, #tpu.memory_space<hbm>>, %arg4: memref<36864x256xf32, #tpu.memory_space<hbm>>, %arg5: memref<128xi32, #tpu.memory_space<vmem>>, %arg6: memref<128x256xf32, #tpu.memory_space<vmem>>, %arg7: memref<!tpu.dma_semaphore, #tpu.memory_space<semaphore_mem>>) attributes {dimension_semantics = [#tpu.dimension_semantics<core_parallel>, #tpu.dimension_semantics<subcore_parallel>], iteration_bounds = array<i64: 2, 16>, scalar_prefetch = 0 : i64, scratch_operands = 3 : i64, tpu.core_type = #tpu.core_type<sc_vector_subcore>, window_params = [{transform_indices = #map}, {transform_indices = #map1}, {transform_indices = #map}]} {
    %mul3A = arith.constant 2 : i32
    %mul3A_0 = arith.muli %arg1, %mul3A : i32
    %add3A = arith.addi %mul3A_0, %arg0 : i32
    %mul3A_1 = arith.constant 1152 : i32
    %mul3A_2 = arith.muli %add3A, %mul3A_1 : i32
    %scan3A = arith.constant 0 : i32
    %scan3A_3 = arith.constant 0 : i32
    %scan3A_4 = arith.constant 9 : i32
    %scan3A_5 = arith.addi %scan3A_3, %scan3A_4 : i32
    %scan3A_6 = arith.constant 1 : i32
    scf.for %scan3A_8 = %scan3A_3 to %scan3A_5 step %scan3A_6  : i32 {
      %mul3A_9 = arith.constant 128 : i32
      %mul3A_10 = arith.muli %scan3A_8, %mul3A_9 : i32
      %add3A_11 = arith.addi %mul3A_2, %mul3A_10 : i32
      "tpu.region"() ({
        %run_scoped3A = tpu.sem_alloc : memref<!tpu.dma_semaphore, #tpu.memory_space<semaphore_mem>>
        %dma_start3A_16 = tpu.memref_slice %arg3[%add3A_11] : memref<36864xi32, #tpu.memory_space<hbm>> -> memref<128xi32, #tpu.memory_space<hbm>>
        %dma_start3A_17 = tpu.memref_slice %arg3[%add3A_11] : memref<36864xi32, #tpu.memory_space<hbm>> -> memref<128xi32, #tpu.memory_space<hbm>>
        tpu.enqueue_dma source(%dma_start3A_17 : memref<128xi32, #tpu.memory_space<hbm>>) target(%arg5 : memref<128xi32, #tpu.memory_space<vmem>>) target_semaphore(%run_scoped3A : memref<!tpu.dma_semaphore, #tpu.memory_space<semaphore_mem>>)
        %dma_wait3A_18 = tpu.memref_slice %arg3[%add3A_11] : memref<36864xi32, #tpu.memory_space<hbm>> -> memref<128xi32, #tpu.memory_space<hbm>>
        %dma_wait3A_19 = tpu.memref_slice %arg3[%add3A_11] : memref<36864xi32, #tpu.memory_space<hbm>> -> memref<128xi32, #tpu.memory_space<hbm>>
        tpu.wait_dma2 semaphore(%run_scoped3A : memref<!tpu.dma_semaphore, #tpu.memory_space<semaphore_mem>>) src(%dma_wait3A_19 : memref<128xi32, #tpu.memory_space<hbm>>) dst(%arg5 : memref<128xi32, #tpu.memory_space<vmem>>)
        tpu.yield
      }) : () -> ()
      %dma_start3A = arith.constant 0 : i32
      %dma_start3A_12 = arith.constant 0 : i32
      %dma_start3A_13 = tpu.memref_slice %arg2[%dma_start3A, %dma_start3A_12] : memref<4096x256xf32, #tpu.memory_space<hbm>> -> memref<4096x256xf32, #tpu.memory_space<hbm>>
      tpu.enqueue_indirect_dma source(%dma_start3A_13 : memref<4096x256xf32, #tpu.memory_space<hbm>>) target(%arg6 : memref<128x256xf32, #tpu.memory_space<vmem>>) offsets(%arg5 : memref<128xi32, #tpu.memory_space<vmem>>) semaphore(%arg7 : memref<!tpu.dma_semaphore, #tpu.memory_space<semaphore_mem>>)
      %dma_wait3A = arith.constant 0 : i32
      %dma_wait3A_14 = arith.constant 0 : i32
      %dma_wait3A_15 = tpu.memref_slice %arg2[%dma_wait3A, %dma_wait3A_14] : memref<4096x256xf32, #tpu.memory_space<hbm>> -> memref<4096x256xf32, #tpu.memory_space<hbm>>
      tpu.wait_indirect_dma semaphore(%arg7 : memref<!tpu.dma_semaphore, #tpu.memory_space<semaphore_mem>>) src(%dma_wait3A_15 : memref<4096x256xf32, #tpu.memory_space<hbm>>) dst(%arg6 : memref<128x256xf32, #tpu.memory_space<vmem>>)
      "tpu.region"() ({
        %run_scoped3A = tpu.sem_alloc : memref<!tpu.dma_semaphore, #tpu.memory_space<semaphore_mem>>
        %dma_start3A_16 = arith.constant 0 : i32
        %dma_start3A_17 = tpu.memref_slice %arg4[%add3A_11, %dma_start3A_16] : memref<36864x256xf32, #tpu.memory_space<hbm>> -> memref<128x256xf32, #tpu.memory_space<hbm>>
        %dma_start3A_18 = arith.constant 0 : i32
        %dma_start3A_19 = tpu.memref_slice %arg4[%add3A_11, %dma_start3A_18] : memref<36864x256xf32, #tpu.memory_space<hbm>> -> memref<128x256xf32, #tpu.memory_space<hbm>>
        tpu.enqueue_dma source(%arg6 : memref<128x256xf32, #tpu.memory_space<vmem>>) target(%dma_start3A_19 : memref<128x256xf32, #tpu.memory_space<hbm>>) target_semaphore(%run_scoped3A : memref<!tpu.dma_semaphore, #tpu.memory_space<semaphore_mem>>)
        %dma_wait3A_20 = arith.constant 0 : i32
        %dma_wait3A_21 = tpu.memref_slice %arg4[%add3A_11, %dma_wait3A_20] : memref<36864x256xf32, #tpu.memory_space<hbm>> -> memref<128x256xf32, #tpu.memory_space<hbm>>
        %dma_wait3A_22 = arith.constant 0 : i32
        %dma_wait3A_23 = tpu.memref_slice %arg4[%add3A_11, %dma_wait3A_22] : memref<36864x256xf32, #tpu.memory_space<hbm>> -> memref<128x256xf32, #tpu.memory_space<hbm>>
        tpu.wait_dma2 semaphore(%run_scoped3A : memref<!tpu.dma_semaphore, #tpu.memory_space<semaphore_mem>>) src(%arg6 : memref<128x256xf32, #tpu.memory_space<vmem>>) dst(%dma_wait3A_23 : memref<128x256xf32, #tpu.memory_space<hbm>>)
        tpu.yield
      }) : () -> ()
    }
    %scan3A_7 = arith.constant 9 : i32
    return
  }
}

#map = affine_map<(d0, d1) -> (0, 0)>
#map1 = affine_map<(d0, d1) -> (0)>
module attributes {stable_mosaic.version = 14 : i64} {
  func.func @gk(%arg0: i32, %arg1: i32, %arg2: memref<4096x256xf32, #tpu.memory_space<hbm>>, %arg3: memref<36864xi32, #tpu.memory_space<hbm>>, %arg4: memref<36864x256xf32, #tpu.memory_space<hbm>>, %arg5: memref<128xi32, #tpu.memory_space<vmem>>, %arg6: memref<128x256xf32, #tpu.memory_space<vmem>>, %arg7: memref<!tpu.dma_semaphore, #tpu.memory_space<semaphore_mem>>) attributes {dimension_semantics = [#tpu.dimension_semantics<core_parallel>, #tpu.dimension_semantics<subcore_parallel>], iteration_bounds = array<i64: 2, 16>, scalar_prefetch = 0 : i64, scratch_operands = 3 : i64, tpu.core_type = #tpu.core_type<sc_vector_subcore>, window_params = [{transform_indices = #map}, {transform_indices = #map1}, {transform_indices = #map}]} {
    %mul3A = arith.constant 2 : i32
    %mul3A_0 = arith.muli %arg1, %mul3A : i32
    %add3A = arith.addi %mul3A_0, %arg0 : i32
    %mul3A_1 = arith.constant 1152 : i32
    %mul3A_2 = arith.muli %add3A, %mul3A_1 : i32
    %scan3A = arith.constant 0 : i32
    %scan3A_3 = arith.constant 0 : i32
    %scan3A_4 = arith.constant 9 : i32
    %scan3A_5 = arith.addi %scan3A_3, %scan3A_4 : i32
    %scan3A_6 = arith.constant 1 : i32
    scf.for %scan3A_8 = %scan3A_3 to %scan3A_5 step %scan3A_6  : i32 {
      %mul3A_9 = arith.constant 128 : i32
      %mul3A_10 = arith.muli %scan3A_8, %mul3A_9 : i32
      %add3A_11 = arith.addi %mul3A_2, %mul3A_10 : i32
      "tpu.region"() ({
        %run_scoped3A = tpu.sem_alloc : memref<!tpu.dma_semaphore, #tpu.memory_space<semaphore_mem>>
        %dma_start3A_16 = tpu.memref_slice %arg3[%add3A_11] : memref<36864xi32, #tpu.memory_space<hbm>> -> memref<128xi32, #tpu.memory_space<hbm>>
        %dma_start3A_17 = tpu.memref_slice %arg3[%add3A_11] : memref<36864xi32, #tpu.memory_space<hbm>> -> memref<128xi32, #tpu.memory_space<hbm>>
        tpu.enqueue_dma source(%dma_start3A_17 : memref<128xi32, #tpu.memory_space<hbm>>) target(%arg5 : memref<128xi32, #tpu.memory_space<vmem>>) target_semaphore(%run_scoped3A : memref<!tpu.dma_semaphore, #tpu.memory_space<semaphore_mem>>)
        %dma_wait3A_18 = tpu.memref_slice %arg3[%add3A_11] : memref<36864xi32, #tpu.memory_space<hbm>> -> memref<128xi32, #tpu.memory_space<hbm>>
        %dma_wait3A_19 = tpu.memref_slice %arg3[%add3A_11] : memref<36864xi32, #tpu.memory_space<hbm>> -> memref<128xi32, #tpu.memory_space<hbm>>
        tpu.wait_dma2 semaphore(%run_scoped3A : memref<!tpu.dma_semaphore, #tpu.memory_space<semaphore_mem>>) src(%dma_wait3A_19 : memref<128xi32, #tpu.memory_space<hbm>>) dst(%arg5 : memref<128xi32, #tpu.memory_space<vmem>>)
        tpu.yield
      }) : () -> ()
      %dma_start3A = arith.constant 0 : i32
      %dma_start3A_12 = arith.constant 0 : i32
      %dma_start3A_13 = tpu.memref_slice %arg2[%dma_start3A, %dma_start3A_12] : memref<4096x256xf32, #tpu.memory_space<hbm>> -> memref<4096x256xf32, #tpu.memory_space<hbm>>
      tpu.enqueue_indirect_dma source(%dma_start3A_13 : memref<4096x256xf32, #tpu.memory_space<hbm>>) target(%arg6 : memref<128x256xf32, #tpu.memory_space<vmem>>) offsets(%arg5 : memref<128xi32, #tpu.memory_space<vmem>>) semaphore(%arg7 : memref<!tpu.dma_semaphore, #tpu.memory_space<semaphore_mem>>)
      %dma_wait3A = arith.constant 0 : i32
      %dma_wait3A_14 = arith.constant 0 : i32
      %dma_wait3A_15 = tpu.memref_slice %arg2[%dma_wait3A, %dma_wait3A_14] : memref<4096x256xf32, #tpu.memory_space<hbm>> -> memref<4096x256xf32, #tpu.memory_space<hbm>>
      tpu.wait_indirect_dma semaphore(%arg7 : memref<!tpu.dma_semaphore, #tpu.memory_space<semaphore_mem>>) src(%dma_wait3A_15 : memref<4096x256xf32, #tpu.memory_space<hbm>>) dst(%arg6 : memref<128x256xf32, #tpu.memory_space<vmem>>)
      "tpu.region"() ({
        %run_scoped3A = tpu.sem_alloc : memref<!tpu.dma_semaphore, #tpu.memory_space<semaphore_mem>>
        %dma_start3A_16 = arith.constant 0 : i32
        %dma_start3A_17 = tpu.memref_slice %arg4[%add3A_11, %dma_start3A_16] : memref<36864x256xf32, #tpu.memory_space<hbm>> -> memref<128x256xf32, #tpu.memory_space<hbm>>
        %dma_start3A_18 = arith.constant 0 : i32
        %dma_start3A_19 = tpu.memref_slice %arg4[%add3A_11, %dma_start3A_18] : memref<36864x256xf32, #tpu.memory_space<hbm>> -> memref<128x256xf32, #tpu.memory_space<hbm>>
        tpu.enqueue_dma source(%arg6 : memref<128x256xf32, #tpu.memory_space<vmem>>) target(%dma_start3A_19 : memref<128x256xf32, #tpu.memory_space<hbm>>) target_semaphore(%run_scoped3A : memref<!tpu.dma_semaphore, #tpu.memory_space<semaphore_mem>>)
        %dma_wait3A_20 = arith.constant 0 : i32
        %dma_wait3A_21 = tpu.memref_slice %arg4[%add3A_11, %dma_wait3A_20] : memref<36864x256xf32, #tpu.memory_space<hbm>> -> memref<128x256xf32, #tpu.memory_space<hbm>>
        %dma_wait3A_22 = arith.constant 0 : i32
        %dma_wait3A_23 = tpu.memref_slice %arg4[%add3A_11, %dma_wait3A_22] : memref<36864x256xf32, #tpu.memory_space<hbm>> -> memref<128x256xf32, #tpu.memory_space<hbm>>
        tpu.wait_dma2 semaphore(%run_scoped3A : memref<!tpu.dma_semaphore, #tpu.memory_space<semaphore_mem>>) src(%arg6 : memref<128x256xf32, #tpu.memory_space<vmem>>) dst(%dma_wait3A_23 : memref<128x256xf32, #tpu.memory_space<hbm>>)
        tpu.yield
      }) : () -> ()
    }
    %scan3A_7 = arith.constant 9 : i32
    return
  }
}

module attributes {stable_mosaic.version = 14 : i64} {
  func.func @_topk_qkv_body(%arg0: i32, %arg1: i32, %arg2: memref<1x256x2xf32, #tpu.memory_space<vmem>>, %arg3: memref<1x2x4096xf32, #tpu.memory_space<vmem>>, %arg4: memref<1x256x128xf32, #tpu.memory_space<vmem>>, %arg5: memref<128x384xf32, #tpu.memory_space<vmem>>, %arg6: memref<1x256x128xf32, #tpu.memory_space<vmem>>, %arg7: memref<1x256x256xf32, #tpu.memory_space<vmem>>, %arg8: memref<1x256x16xi32, #tpu.memory_space<vmem>>) attributes {dimension_semantics = [#tpu.dimension_semantics<parallel>, #tpu.dimension_semantics<parallel>], iteration_bounds = array<i64: 1, 16>, scalar_prefetch = 0 : i64, scratch_operands = 0 : i64, tpu.core_type = #tpu.core_type<tc>, window_params = [{transform_indices = @transform_0, window_bounds = array<i64: 1, 256, 2>}, {transform_indices = @transform_1, window_bounds = array<i64: 1, 2, 4096>}, {transform_indices = @transform_2, window_bounds = array<i64: 1, 256, 128>}, {pipeline_mode = #tpu.pipeline_mode<synchronous>, transform_indices = @transform_3, window_bounds = array<i64: 128, 384>}, {transform_indices = @transform_4, window_bounds = array<i64: 1, 256, 128>}, {transform_indices = @transform_5, window_bounds = array<i64: 1, 256, 256>}, {transform_indices = @transform_6, window_bounds = array<i64: 1, 256, 16>}]} {
    %get3A = arith.constant 0 : index
    %get3A_0 = arith.constant 0 : index
    %get3A_1 = arith.constant 0 : index
    %get3A_2 = vector.load %arg4[%get3A, %get3A_0, %get3A_1] : memref<1x256x128xf32, #tpu.memory_space<vmem>>, vector<1x256x128xf32>
    %get3A_3 = vector.shape_cast %get3A_2 : vector<1x256x128xf32> to vector<256x128xf32>
    %get3A_4 = arith.constant 0 : index
    %get3A_5 = arith.constant 0 : index
    %get3A_6 = vector.load %arg5[%get3A_4, %get3A_5] : memref<128x384xf32, #tpu.memory_space<vmem>>, vector<128x384xf32>
    %dot_general3A = arith.constant dense<0.000000e+00> : vector<256x384xf32>
    %dot_general3A_7 = tpu.matmul %get3A_3, %get3A_6, %dot_general3A {dimension_numbers = #tpu.dot_dimension_numbers<[1], [0], [0], [1], [0, 0, 1, 1], [], []>, transpose_lhs_hint = false} : vector<256x128xf32>, vector<128x384xf32>, vector<256x384xf32> -> vector<256x384xf32>
    %slice3A = vector.extract_strided_slice %dot_general3A_7 {offsets = [0, 0], sizes = [256, 128], strides = [1, 1]} : vector<256x384xf32> to vector<256x128xf32>
    %swap3A = arith.constant 0 : index
    %swap3A_8 = arith.constant 0 : index
    %swap3A_9 = arith.constant 0 : index
    %swap3A_10 = vector.load %arg6[%swap3A, %swap3A_8, %swap3A_9] : memref<1x256x128xf32, #tpu.memory_space<vmem>>, vector<1x256x128xf32>
    %swap3A_11 = vector.shape_cast %swap3A_10 : vector<1x256x128xf32> to vector<256x128xf32>
    %swap3A_12 = vector.shape_cast %slice3A : vector<256x128xf32> to vector<1x256x128xf32>
    tpu.vector_store %arg6[%swap3A, %swap3A_8, %swap3A_9], %swap3A_12 {strides = array<i32>} : memref<1x256x128xf32, #tpu.memory_space<vmem>>, vector<1x256x128xf32>,
    %slice3A_13 = vector.extract_strided_slice %dot_general3A_7 {offsets = [0, 128], sizes = [256, 256], strides = [1, 1]} : vector<256x384xf32> to vector<256x256xf32>
    %swap3A_14 = arith.constant 0 : index
    %swap3A_15 = arith.constant 0 : index
    %swap3A_16 = arith.constant 0 : index
    %swap3A_17 = vector.load %arg7[%swap3A_14, %swap3A_15, %swap3A_16] : memref<1x256x256xf32, #tpu.memory_space<vmem>>, vector<1x256x256xf32>
    %swap3A_18 = vector.shape_cast %swap3A_17 : vector<1x256x256xf32> to vector<256x256xf32>
    %swap3A_19 = vector.shape_cast %slice3A_13 : vector<256x256xf32> to vector<1x256x256xf32>
    tpu.vector_store %arg7[%swap3A_14, %swap3A_15, %swap3A_16], %swap3A_19 {strides = array<i32>} : memref<1x256x256xf32, #tpu.memory_space<vmem>>, vector<1x256x256xf32>,
    %get3A_20 = arith.constant 0 : index
    %get3A_21 = arith.constant 0 : index
    %get3A_22 = arith.constant 0 : index
    %get3A_23 = vector.load %arg2[%get3A_20, %get3A_21, %get3A_22] : memref<1x256x2xf32, #tpu.memory_space<vmem>>, vector<1x256x2xf32>
    %get3A_24 = vector.shape_cast %get3A_23 : vector<1x256x2xf32> to vector<256x2xf32>
    %slice3A_25 = vector.extract_strided_slice %get3A_24 {offsets = [0, 0], sizes = [256, 1], strides = [1, 1]} : vector<256x2xf32> to vector<256x1xf32>
    %slice3A_26 = vector.extract_strided_slice %get3A_24 {offsets = [0, 1], sizes = [256, 1], strides = [1, 1]} : vector<256x2xf32> to vector<256x1xf32>
    %get3A_27 = arith.constant 0 : index
    %get3A_28 = arith.constant 0 : index
    %get3A_29 = arith.constant 0 : index
    %get3A_30 = vector.load %arg3[%get3A_27, %get3A_28, %get3A_29] : memref<1x2x4096xf32, #tpu.memory_space<vmem>>, vector<1x1x4096xf32>
    %get3A_31 = vector.shape_cast %get3A_30 : vector<1x1x4096xf32> to vector<1x4096xf32>
    %get3A_32 = arith.constant 0 : index
    %get3A_33 = arith.constant 1 : index
    %get3A_34 = arith.constant 0 : index
    %get3A_35 = vector.load %arg3[%get3A_32, %get3A_33, %get3A_34] : memref<1x2x4096xf32, #tpu.memory_space<vmem>>, vector<1x1x4096xf32>
    %get3A_36 = vector.shape_cast %get3A_35 : vector<1x1x4096xf32> to vector<1x4096xf32>
    %mul3A = arith.mulf %slice3A_25, %slice3A_25 : vector<256x1xf32>
    %mul3A_37 = arith.mulf %slice3A_26, %slice3A_26 : vector<256x1xf32>
    %add3A = arith.addf %mul3A, %mul3A_37 : vector<256x1xf32>
    %mul3A_38 = arith.mulf %get3A_31, %get3A_31 : vector<1x4096xf32>
    %mul3A_39 = arith.mulf %get3A_36, %get3A_36 : vector<1x4096xf32>
    %add3A_40 = arith.addf %mul3A_38, %mul3A_39 : vector<1x4096xf32>
    %bitcast_convert_type3A = tpu.bitcast %get3A_24 : vector<256x2xf32> -> vector<256x2xi32>
    %shift_right_logical3A = arith.constant 16 : i32
    %shift_right_logical3A_41 = vector.broadcast %shift_right_logical3A : i32 to vector<256x2xi32>
    %shift_right_logical3A_42 = arith.shrui %bitcast_convert_type3A, %shift_right_logical3A_41 : vector<256x2xi32>
    %and3A = arith.constant 1 : i32
    %and3A_43 = vector.broadcast %and3A : i32 to vector<256x2xi32>
    %and3A_44 = arith.andi %shift_right_logical3A_42, %and3A_43 : vector<256x2xi32>
    %add3A_45 = arith.constant 32767 : i32
    %add3A_46 = vector.broadcast %add3A_45 : i32 to vector<256x2xi32>
    %add3A_47 = arith.addi %bitcast_convert_type3A, %add3A_46 : vector<256x2xi32>
    %add3A_48 = arith.addi %add3A_47, %and3A_44 : vector<256x2xi32>
    %and3A_49 = arith.constant -65536 : i32
    %and3A_50 = vector.broadcast %and3A_49 : i32 to vector<256x2xi32>
    %and3A_51 = arith.andi %add3A_48, %and3A_50 : vector<256x2xi32>
    %bitcast_convert_type3A_52 = tpu.bitcast %and3A_51 : vector<256x2xi32> -> vector<256x2xf32>
    %convert_element_type3A = arith.truncf %bitcast_convert_type3A_52 : vector<256x2xf32> to vector<256x2xbf16>
    %get3A_53 = arith.constant 0 : index
    %get3A_54 = arith.constant 0 : index
    %get3A_55 = arith.constant 0 : index
    %get3A_56 = vector.load %arg3[%get3A_53, %get3A_54, %get3A_55] : memref<1x2x4096xf32, #tpu.memory_space<vmem>>, vector<1x2x4096xf32>
    %get3A_57 = vector.shape_cast %get3A_56 : vector<1x2x4096xf32> to vector<2x4096xf32>
    %bitcast_convert_type3A_58 = tpu.bitcast %get3A_57 : vector<2x4096xf32> -> vector<2x4096xi32>
    %shift_right_logical3A_59 = arith.constant 16 : i32
    %shift_right_logical3A_60 = vector.broadcast %shift_right_logical3A_59 : i32 to vector<2x4096xi32>
    %shift_right_logical3A_61 = arith.shrui %bitcast_convert_type3A_58, %shift_right_logical3A_60 : vector<2x4096xi32>
    %and3A_62 = arith.constant 1 : i32
    %and3A_63 = vector.broadcast %and3A_62 : i32 to vector<2x4096xi32>
    %and3A_64 = arith.andi %shift_right_logical3A_61, %and3A_63 : vector<2x4096xi32>
    %add3A_65 = arith.constant 32767 : i32
    %add3A_66 = vector.broadcast %add3A_65 : i32 to vector<2x4096xi32>
    %add3A_67 = arith.addi %bitcast_convert_type3A_58, %add3A_66 : vector<2x4096xi32>
    %add3A_68 = arith.addi %add3A_67, %and3A_64 : vector<2x4096xi32>
    %and3A_69 = arith.constant -65536 : i32
    %and3A_70 = vector.broadcast %and3A_69 : i32 to vector<2x4096xi32>
    %and3A_71 = arith.andi %add3A_68, %and3A_70 : vector<2x4096xi32>
    %bitcast_convert_type3A_72 = tpu.bitcast %and3A_71 : vector<2x4096xi32> -> vector<2x4096xf32>
    %convert_element_type3A_73 = arith.truncf %bitcast_convert_type3A_72 : vector<2x4096xf32> to vector<2x4096xbf16>
    %dot_general3A_74 = arith.constant dense<0.000000e+00> : vector<256x4096xf32>
    %dot_general3A_75 = tpu.matmul %convert_element_type3A, %convert_element_type3A_73, %dot_general3A_74 {dimension_numbers = #tpu.dot_dimension_numbers<[1], [0], [0], [1], [0, 0, 1, 1], [], []>, transpose_lhs_hint = false} : vector<256x2xbf16>, vector<2x4096xbf16>, vector<256x4096xf32> -> vector<256x4096xf32>
    %add3A_76 = vector.broadcast %add3A : vector<256x1xf32> to vector<256x4096xf32>
    %add3A_77 = vector.broadcast %add3A_40 : vector<1x4096xf32> to vector<256x4096xf32>
    %add3A_78 = arith.addf %add3A_76, %add3A_77 : vector<256x4096xf32>
    %mul3A_79 = arith.constant 2.000000e+00 : f32
    %mul3A_80 = vector.broadcast %mul3A_79 : f32 to vector<256x4096xf32>
    %mul3A_81 = arith.mulf %mul3A_80, %dot_general3A_75 : vector<256x4096xf32>
    %sub3A = arith.subf %add3A_78, %mul3A_81 : vector<256x4096xf32>
    %max3A = arith.constant 9.99999996E-13 : f32
    %max3A_82 = vector.broadcast %max3A : f32 to vector<256x4096xf32>
    %max3A_83 = arith.maximumf %sub3A, %max3A_82 : vector<256x4096xf32>
    %iota3A = tpu.iota {dimensions = array<i32: 1>} : vector<256x4096xi32>
    %convert_element_type3A_84 = arith.sitofp %iota3A : vector<256x4096xi32> to vector<256x4096xf32>
    %iota3A_85 = tpu.iota {dimensions = array<i32: 1>} : vector<256x16xi32>
    %broadcast_in_dim3A = arith.constant 0 : i32
    %broadcast_in_dim3A_86 = vector.broadcast %broadcast_in_dim3A : i32 to vector<256x16xi32>
    %reduce_min3A = arith.constant dense<0x7F800000> : vector<256xf32>
    %reduce_min3A_87 = vector.multi_reduction <minimumf>, %max3A_83, %reduce_min3A [1] : vector<256x4096xf32> to vector<256xf32>
    %broadcast_in_dim3A_88 = vector.shape_cast %reduce_min3A_87 : vector<256xf32> to vector<256x1xf32>
    %eq3A = vector.broadcast %broadcast_in_dim3A_88 : vector<256x1xf32> to vector<256x4096xf32>
    %eq3A_89 = arith.cmpf oeq, %max3A_83, %eq3A : vector<256x4096xf32>
    %jit3A = arith.constant 4.096000e+03 : f32
    %broadcast_in_dim3A_90 = vector.broadcast %jit3A : f32 to vector<256x4096xf32>
    %select_n3A = arith.select %eq3A_89, %convert_element_type3A_84, %broadcast_in_dim3A_90 : vector<256x4096xi1>, vector<256x4096xf32>
    %reduce_min3A_91 = arith.constant dense<0x7F800000> : vector<256xf32>
    %reduce_min3A_92 = vector.multi_reduction <minimumf>, %select_n3A, %reduce_min3A_91 [1] : vector<256x4096xf32> to vector<256xf32>
    %broadcast_in_dim3A_93 = vector.shape_cast %reduce_min3A_92 : vector<256xf32> to vector<256x1xf32>
    %eq3A_94 = arith.constant 0 : i32
    %eq3A_95 = vector.broadcast %eq3A_94 : i32 to vector<256x16xi32>
    %eq3A_96 = arith.cmpi eq, %iota3A_85, %eq3A_95 : vector<256x16xi32>
    %convert_element_type3A_97 = arith.fptosi %broadcast_in_dim3A_93 : vector<256x1xf32> to vector<256x1xi32>
    %mul3A_98 = arith.constant 4096 : i32
    %mul3A_99 = arith.muli %arg0, %mul3A_98 : i32
    %add3A_100 = vector.broadcast %mul3A_99 : i32 to vector<256x1xi32>
    %add3A_101 = arith.addi %convert_element_type3A_97, %add3A_100 : vector<256x1xi32>
    %broadcast_in_dim3A_102 = vector.shape_cast %add3A_101 : vector<256x1xi32> to vector<256x1xi32>
    %broadcast_in_dim3A_103 = vector.broadcast %broadcast_in_dim3A_102 : vector<256x1xi32> to vector<256x16xi32>
    %select_n3A_104 = arith.select %eq3A_96, %broadcast_in_dim3A_103, %broadcast_in_dim3A_86 : vector<256x16xi1>, vector<256x16xi32>
    %eq3A_105 = vector.broadcast %broadcast_in_dim3A_93 : vector<256x1xf32> to vector<256x4096xf32>
    %eq3A_106 = arith.cmpf oeq, %convert_element_type3A_84, %eq3A_105 : vector<256x4096xf32>
    %jit3A_107 = arith.constant 0x7F800000 : f32
    %broadcast_in_dim3A_108 = vector.broadcast %jit3A_107 : f32 to vector<256x4096xf32>
    %select_n3A_109 = arith.select %eq3A_106, %broadcast_in_dim3A_108, %max3A_83 : vector<256x4096xi1>, vector<256x4096xf32>
    %reduce_min3A_110 = arith.constant dense<0x7F800000> : vector<256xf32>
    %reduce_min3A_111 = vector.multi_reduction <minimumf>, %select_n3A_109, %reduce_min3A_110 [1] : vector<256x4096xf32> to vector<256xf32>
    %broadcast_in_dim3A_112 = vector.shape_cast %reduce_min3A_111 : vector<256xf32> to vector<256x1xf32>
    %eq3A_113 = vector.broadcast %broadcast_in_dim3A_112 : vector<256x1xf32> to vector<256x4096xf32>
    %eq3A_114 = arith.cmpf oeq, %select_n3A_109, %eq3A_113 : vector<256x4096xf32>
    %jit3A_115 = arith.constant 4.096000e+03 : f32
    %broadcast_in_dim3A_116 = vector.broadcast %jit3A_115 : f32 to vector<256x4096xf32>
    %select_n3A_117 = arith.select %eq3A_114, %convert_element_type3A_84, %broadcast_in_dim3A_116 : vector<256x4096xi1>, vector<256x4096xf32>
    %reduce_min3A_118 = arith.constant dense<0x7F800000> : vector<256xf32>
    %reduce_min3A_119 = vector.multi_reduction <minimumf>, %select_n3A_117, %reduce_min3A_118 [1] : vector<256x4096xf32> to vector<256xf32>
    %broadcast_in_dim3A_120 = vector.shape_cast %reduce_min3A_119 : vector<256xf32> to vector<256x1xf32>
    %eq3A_121 = arith.constant 1 : i32
    %eq3A_122 = vector.broadcast %eq3A_121 : i32 to vector<256x16xi32>
    %eq3A_123 = arith.cmpi eq, %iota3A_85, %eq3A_122 : vector<256x16xi32>
    %convert_element_type3A_124 = arith.fptosi %broadcast_in_dim3A_120 : vector<256x1xf32> to vector<256x1xi32>
    %mul3A_125 = arith.constant 4096 : i32
    %mul3A_126 = arith.muli %arg0, %mul3A_125 : i32
    %add3A_127 = vector.broadcast %mul3A_126 : i32 to vector<256x1xi32>
    %add3A_128 = arith.addi %convert_element_type3A_124, %add3A_127 : vector<256x1xi32>
    %broadcast_in_dim3A_129 = vector.shape_cast %add3A_128 : vector<256x1xi32> to vector<256x1xi32>
    %broadcast_in_dim3A_130 = vector.broadcast %broadcast_in_dim3A_129 : vector<256x1xi32> to vector<256x16xi32>
    %select_n3A_131 = arith.select %eq3A_123, %broadcast_in_dim3A_130, %select_n3A_104 : vector<256x16xi1>, vector<256x16xi32>
    %eq3A_132 = vector.broadcast %broadcast_in_dim3A_120 : vector<256x1xf32> to vector<256x4096xf32>
    %eq3A_133 = arith.cmpf oeq, %convert_element_type3A_84, %eq3A_132 : vector<256x4096xf32>
    %jit3A_134 = arith.constant 0x7F800000 : f32
    %broadcast_in_dim3A_135 = vector.broadcast %jit3A_134 : f32 to vector<256x4096xf32>
    %select_n3A_136 = arith.select %eq3A_133, %broadcast_in_dim3A_135, %select_n3A_109 : vector<256x4096xi1>, vector<256x4096xf32>
    %reduce_min3A_137 = arith.constant dense<0x7F800000> : vector<256xf32>
    %reduce_min3A_138 = vector.multi_reduction <minimumf>, %select_n3A_136, %reduce_min3A_137 [1] : vector<256x4096xf32> to vector<256xf32>
    %broadcast_in_dim3A_139 = vector.shape_cast %reduce_min3A_138 : vector<256xf32> to vector<256x1xf32>
    %eq3A_140 = vector.broadcast %broadcast_in_dim3A_139 : vector<256x1xf32> to vector<256x4096xf32>
    %eq3A_141 = arith.cmpf oeq, %select_n3A_136, %eq3A_140 : vector<256x4096xf32>
    %jit3A_142 = arith.constant 4.096000e+03 : f32
    %broadcast_in_dim3A_143 = vector.broadcast %jit3A_142 : f32 to vector<256x4096xf32>
    %select_n3A_144 = arith.select %eq3A_141, %convert_element_type3A_84, %broadcast_in_dim3A_143 : vector<256x4096xi1>, vector<256x4096xf32>
    %reduce_min3A_145 = arith.constant dense<0x7F800000> : vector<256xf32>
    %reduce_min3A_146 = vector.multi_reduction <minimumf>, %select_n3A_144, %reduce_min3A_145 [1] : vector<256x4096xf32> to vector<256xf32>
    %broadcast_in_dim3A_147 = vector.shape_cast %reduce_min3A_146 : vector<256xf32> to vector<256x1xf32>
    %eq3A_148 = arith.constant 2 : i32
    %eq3A_149 = vector.broadcast %eq3A_148 : i32 to vector<256x16xi32>
    %eq3A_150 = arith.cmpi eq, %iota3A_85, %eq3A_149 : vector<256x16xi32>
    %convert_element_type3A_151 = arith.fptosi %broadcast_in_dim3A_147 : vector<256x1xf32> to vector<256x1xi32>
    %mul3A_152 = arith.constant 4096 : i32
    %mul3A_153 = arith.muli %arg0, %mul3A_152 : i32
    %add3A_154 = vector.broadcast %mul3A_153 : i32 to vector<256x1xi32>
    %add3A_155 = arith.addi %convert_element_type3A_151, %add3A_154 : vector<256x1xi32>
    %broadcast_in_dim3A_156 = vector.shape_cast %add3A_155 : vector<256x1xi32> to vector<256x1xi32>
    %broadcast_in_dim3A_157 = vector.broadcast %broadcast_in_dim3A_156 : vector<256x1xi32> to vector<256x16xi32>
    %select_n3A_158 = arith.select %eq3A_150, %broadcast_in_dim3A_157, %select_n3A_131 : vector<256x16xi1>, vector<256x16xi32>
    %eq3A_159 = vector.broadcast %broadcast_in_dim3A_147 : vector<256x1xf32> to vector<256x4096xf32>
    %eq3A_160 = arith.cmpf oeq, %convert_element_type3A_84, %eq3A_159 : vector<256x4096xf32>
    %jit3A_161 = arith.constant 0x7F800000 : f32
    %broadcast_in_dim3A_162 = vector.broadcast %jit3A_161 : f32 to vector<256x4096xf32>
    %select_n3A_163 = arith.select %eq3A_160, %broadcast_in_dim3A_162, %select_n3A_136 : vector<256x4096xi1>, vector<256x4096xf32>
    %reduce_min3A_164 = arith.constant dense<0x7F800000> : vector<256xf32>
    %reduce_min3A_165 = vector.multi_reduction <minimumf>, %select_n3A_163, %reduce_min3A_164 [1] : vector<256x4096xf32> to vector<256xf32>
    %broadcast_in_dim3A_166 = vector.shape_cast %reduce_min3A_165 : vector<256xf32> to vector<256x1xf32>
    %eq3A_167 = vector.broadcast %broadcast_in_dim3A_166 : vector<256x1xf32> to vector<256x4096xf32>
    %eq3A_168 = arith.cmpf oeq, %select_n3A_163, %eq3A_167 : vector<256x4096xf32>
    %jit3A_169 = arith.constant 4.096000e+03 : f32
    %broadcast_in_dim3A_170 = vector.broadcast %jit3A_169 : f32 to vector<256x4096xf32>
    %select_n3A_171 = arith.select %eq3A_168, %convert_element_type3A_84, %broadcast_in_dim3A_170 : vector<256x4096xi1>, vector<256x4096xf32>
    %reduce_min3A_172 = arith.constant dense<0x7F800000> : vector<256xf32>
    %reduce_min3A_173 = vector.multi_reduction <minimumf>, %select_n3A_171, %reduce_min3A_172 [1] : vector<256x4096xf32> to vector<256xf32>
    %broadcast_in_dim3A_174 = vector.shape_cast %reduce_min3A_173 : vector<256xf32> to vector<256x1xf32>
    %eq3A_175 = arith.constant 3 : i32
    %eq3A_176 = vector.broadcast %eq3A_175 : i32 to vector<256x16xi32>
    %eq3A_177 = arith.cmpi eq, %iota3A_85, %eq3A_176 : vector<256x16xi32>
    %convert_element_type3A_178 = arith.fptosi %broadcast_in_dim3A_174 : vector<256x1xf32> to vector<256x1xi32>
    %mul3A_179 = arith.constant 4096 : i32
    %mul3A_180 = arith.muli %arg0, %mul3A_179 : i32
    %add3A_181 = vector.broadcast %mul3A_180 : i32 to vector<256x1xi32>
    %add3A_182 = arith.addi %convert_element_type3A_178, %add3A_181 : vector<256x1xi32>
    %broadcast_in_dim3A_183 = vector.shape_cast %add3A_182 : vector<256x1xi32> to vector<256x1xi32>
    %broadcast_in_dim3A_184 = vector.broadcast %broadcast_in_dim3A_183 : vector<256x1xi32> to vector<256x16xi32>
    %select_n3A_185 = arith.select %eq3A_177, %broadcast_in_dim3A_184, %select_n3A_158 : vector<256x16xi1>, vector<256x16xi32>
    %eq3A_186 = vector.broadcast %broadcast_in_dim3A_174 : vector<256x1xf32> to vector<256x4096xf32>
    %eq3A_187 = arith.cmpf oeq, %convert_element_type3A_84, %eq3A_186 : vector<256x4096xf32>
    %jit3A_188 = arith.constant 0x7F800000 : f32
    %broadcast_in_dim3A_189 = vector.broadcast %jit3A_188 : f32 to vector<256x4096xf32>
    %select_n3A_190 = arith.select %eq3A_187, %broadcast_in_dim3A_189, %select_n3A_163 : vector<256x4096xi1>, vector<256x4096xf32>
    %reduce_min3A_191 = arith.constant dense<0x7F800000> : vector<256xf32>
    %reduce_min3A_192 = vector.multi_reduction <minimumf>, %select_n3A_190, %reduce_min3A_191 [1] : vector<256x4096xf32> to vector<256xf32>
    %broadcast_in_dim3A_193 = vector.shape_cast %reduce_min3A_192 : vector<256xf32> to vector<256x1xf32>
    %eq3A_194 = vector.broadcast %broadcast_in_dim3A_193 : vector<256x1xf32> to vector<256x4096xf32>
    %eq3A_195 = arith.cmpf oeq, %select_n3A_190, %eq3A_194 : vector<256x4096xf32>
    %jit3A_196 = arith.constant 4.096000e+03 : f32
    %broadcast_in_dim3A_197 = vector.broadcast %jit3A_196 : f32 to vector<256x4096xf32>
    %select_n3A_198 = arith.select %eq3A_195, %convert_element_type3A_84, %broadcast_in_dim3A_197 : vector<256x4096xi1>, vector<256x4096xf32>
    %reduce_min3A_199 = arith.constant dense<0x7F800000> : vector<256xf32>
    %reduce_min3A_200 = vector.multi_reduction <minimumf>, %select_n3A_198, %reduce_min3A_199 [1] : vector<256x4096xf32> to vector<256xf32>
    %broadcast_in_dim3A_201 = vector.shape_cast %reduce_min3A_200 : vector<256xf32> to vector<256x1xf32>
    %eq3A_202 = arith.constant 4 : i32
    %eq3A_203 = vector.broadcast %eq3A_202 : i32 to vector<256x16xi32>
    %eq3A_204 = arith.cmpi eq, %iota3A_85, %eq3A_203 : vector<256x16xi32>
    %convert_element_type3A_205 = arith.fptosi %broadcast_in_dim3A_201 : vector<256x1xf32> to vector<256x1xi32>
    %mul3A_206 = arith.constant 4096 : i32
    %mul3A_207 = arith.muli %arg0, %mul3A_206 : i32
    %add3A_208 = vector.broadcast %mul3A_207 : i32 to vector<256x1xi32>
    %add3A_209 = arith.addi %convert_element_type3A_205, %add3A_208 : vector<256x1xi32>
    %broadcast_in_dim3A_210 = vector.shape_cast %add3A_209 : vector<256x1xi32> to vector<256x1xi32>
    %broadcast_in_dim3A_211 = vector.broadcast %broadcast_in_dim3A_210 : vector<256x1xi32> to vector<256x16xi32>
    %select_n3A_212 = arith.select %eq3A_204, %broadcast_in_dim3A_211, %select_n3A_185 : vector<256x16xi1>, vector<256x16xi32>
    %eq3A_213 = vector.broadcast %broadcast_in_dim3A_201 : vector<256x1xf32> to vector<256x4096xf32>
    %eq3A_214 = arith.cmpf oeq, %convert_element_type3A_84, %eq3A_213 : vector<256x4096xf32>
    %jit3A_215 = arith.constant 0x7F800000 : f32
    %broadcast_in_dim3A_216 = vector.broadcast %jit3A_215 : f32 to vector<256x4096xf32>
    %select_n3A_217 = arith.select %eq3A_214, %broadcast_in_dim3A_216, %select_n3A_190 : vector<256x4096xi1>, vector<256x4096xf32>
    %reduce_min3A_218 = arith.constant dense<0x7F800000> : vector<256xf32>
    %reduce_min3A_219 = vector.multi_reduction <minimumf>, %select_n3A_217, %reduce_min3A_218 [1] : vector<256x4096xf32> to vector<256xf32>
    %broadcast_in_dim3A_220 = vector.shape_cast %reduce_min3A_219 : vector<256xf32> to vector<256x1xf32>
    %eq3A_221 = vector.broadcast %broadcast_in_dim3A_220 : vector<256x1xf32> to vector<256x4096xf32>
    %eq3A_222 = arith.cmpf oeq, %select_n3A_217, %eq3A_221 : vector<256x4096xf32>
    %jit3A_223 = arith.constant 4.096000e+03 : f32
    %broadcast_in_dim3A_224 = vector.broadcast %jit3A_223 : f32 to vector<256x4096xf32>
    %select_n3A_225 = arith.select %eq3A_222, %convert_element_type3A_84, %broadcast_in_dim3A_224 : vector<256x4096xi1>, vector<256x4096xf32>
    %reduce_min3A_226 = arith.constant dense<0x7F800000> : vector<256xf32>
    %reduce_min3A_227 = vector.multi_reduction <minimumf>, %select_n3A_225, %reduce_min3A_226 [1] : vector<256x4096xf32> to vector<256xf32>
    %broadcast_in_dim3A_228 = vector.shape_cast %reduce_min3A_227 : vector<256xf32> to vector<256x1xf32>
    %eq3A_229 = arith.constant 5 : i32
    %eq3A_230 = vector.broadcast %eq3A_229 : i32 to vector<256x16xi32>
    %eq3A_231 = arith.cmpi eq, %iota3A_85, %eq3A_230 : vector<256x16xi32>
    %convert_element_type3A_232 = arith.fptosi %broadcast_in_dim3A_228 : vector<256x1xf32> to vector<256x1xi32>
    %mul3A_233 = arith.constant 4096 : i32
    %mul3A_234 = arith.muli %arg0, %mul3A_233 : i32
    %add3A_235 = vector.broadcast %mul3A_234 : i32 to vector<256x1xi32>
    %add3A_236 = arith.addi %convert_element_type3A_232, %add3A_235 : vector<256x1xi32>
    %broadcast_in_dim3A_237 = vector.shape_cast %add3A_236 : vector<256x1xi32> to vector<256x1xi32>
    %broadcast_in_dim3A_238 = vector.broadcast %broadcast_in_dim3A_237 : vector<256x1xi32> to vector<256x16xi32>
    %select_n3A_239 = arith.select %eq3A_231, %broadcast_in_dim3A_238, %select_n3A_212 : vector<256x16xi1>, vector<256x16xi32>
    %eq3A_240 = vector.broadcast %broadcast_in_dim3A_228 : vector<256x1xf32> to vector<256x4096xf32>
    %eq3A_241 = arith.cmpf oeq, %convert_element_type3A_84, %eq3A_240 : vector<256x4096xf32>
    %jit3A_242 = arith.constant 0x7F800000 : f32
    %broadcast_in_dim3A_243 = vector.broadcast %jit3A_242 : f32 to vector<256x4096xf32>
    %select_n3A_244 = arith.select %eq3A_241, %broadcast_in_dim3A_243, %select_n3A_217 : vector<256x4096xi1>, vector<256x4096xf32>
    %reduce_min3A_245 = arith.constant dense<0x7F800000> : vector<256xf32>
    %reduce_min3A_246 = vector.multi_reduction <minimumf>, %select_n3A_244, %reduce_min3A_245 [1] : vector<256x4096xf32> to vector<256xf32>
    %broadcast_in_dim3A_247 = vector.shape_cast %reduce_min3A_246 : vector<256xf32> to vector<256x1xf32>
    %eq3A_248 = vector.broadcast %broadcast_in_dim3A_247 : vector<256x1xf32> to vector<256x4096xf32>
    %eq3A_249 = arith.cmpf oeq, %select_n3A_244, %eq3A_248 : vector<256x4096xf32>
    %jit3A_250 = arith.constant 4.096000e+03 : f32
    %broadcast_in_dim3A_251 = vector.broadcast %jit3A_250 : f32 to vector<256x4096xf32>
    %select_n3A_252 = arith.select %eq3A_249, %convert_element_type3A_84, %broadcast_in_dim3A_251 : vector<256x4096xi1>, vector<256x4096xf32>
    %reduce_min3A_253 = arith.constant dense<0x7F800000> : vector<256xf32>
    %reduce_min3A_254 = vector.multi_reduction <minimumf>, %select_n3A_252, %reduce_min3A_253 [1] : vector<256x4096xf32> to vector<256xf32>
    %broadcast_in_dim3A_255 = vector.shape_cast %reduce_min3A_254 : vector<256xf32> to vector<256x1xf32>
    %eq3A_256 = arith.constant 6 : i32
    %eq3A_257 = vector.broadcast %eq3A_256 : i32 to vector<256x16xi32>
    %eq3A_258 = arith.cmpi eq, %iota3A_85, %eq3A_257 : vector<256x16xi32>
    %convert_element_type3A_259 = arith.fptosi %broadcast_in_dim3A_255 : vector<256x1xf32> to vector<256x1xi32>
    %mul3A_260 = arith.constant 4096 : i32
    %mul3A_261 = arith.muli %arg0, %mul3A_260 : i32
    %add3A_262 = vector.broadcast %mul3A_261 : i32 to vector<256x1xi32>
    %add3A_263 = arith.addi %convert_element_type3A_259, %add3A_262 : vector<256x1xi32>
    %broadcast_in_dim3A_264 = vector.shape_cast %add3A_263 : vector<256x1xi32> to vector<256x1xi32>
    %broadcast_in_dim3A_265 = vector.broadcast %broadcast_in_dim3A_264 : vector<256x1xi32> to vector<256x16xi32>
    %select_n3A_266 = arith.select %eq3A_258, %broadcast_in_dim3A_265, %select_n3A_239 : vector<256x16xi1>, vector<256x16xi32>
    %eq3A_267 = vector.broadcast %broadcast_in_dim3A_255 : vector<256x1xf32> to vector<256x4096xf32>
    %eq3A_268 = arith.cmpf oeq, %convert_element_type3A_84, %eq3A_267 : vector<256x4096xf32>
    %jit3A_269 = arith.constant 0x7F800000 : f32
    %broadcast_in_dim3A_270 = vector.broadcast %jit3A_269 : f32 to vector<256x4096xf32>
    %select_n3A_271 = arith.select %eq3A_268, %broadcast_in_dim3A_270, %select_n3A_244 : vector<256x4096xi1>, vector<256x4096xf32>
    %reduce_min3A_272 = arith.constant dense<0x7F800000> : vector<256xf32>
    %reduce_min3A_273 = vector.multi_reduction <minimumf>, %select_n3A_271, %reduce_min3A_272 [1] : vector<256x4096xf32> to vector<256xf32>
    %broadcast_in_dim3A_274 = vector.shape_cast %reduce_min3A_273 : vector<256xf32> to vector<256x1xf32>
    %eq3A_275 = vector.broadcast %broadcast_in_dim3A_274 : vector<256x1xf32> to vector<256x4096xf32>
    %eq3A_276 = arith.cmpf oeq, %select_n3A_271, %eq3A_275 : vector<256x4096xf32>
    %jit3A_277 = arith.constant 4.096000e+03 : f32
    %broadcast_in_dim3A_278 = vector.broadcast %jit3A_277 : f32 to vector<256x4096xf32>
    %select_n3A_279 = arith.select %eq3A_276, %convert_element_type3A_84, %broadcast_in_dim3A_278 : vector<256x4096xi1>, vector<256x4096xf32>
    %reduce_min3A_280 = arith.constant dense<0x7F800000> : vector<256xf32>
    %reduce_min3A_281 = vector.multi_reduction <minimumf>, %select_n3A_279, %reduce_min3A_280 [1] : vector<256x4096xf32> to vector<256xf32>
    %broadcast_in_dim3A_282 = vector.shape_cast %reduce_min3A_281 : vector<256xf32> to vector<256x1xf32>
    %eq3A_283 = arith.constant 7 : i32
    %eq3A_284 = vector.broadcast %eq3A_283 : i32 to vector<256x16xi32>
    %eq3A_285 = arith.cmpi eq, %iota3A_85, %eq3A_284 : vector<256x16xi32>
    %convert_element_type3A_286 = arith.fptosi %broadcast_in_dim3A_282 : vector<256x1xf32> to vector<256x1xi32>
    %mul3A_287 = arith.constant 4096 : i32
    %mul3A_288 = arith.muli %arg0, %mul3A_287 : i32
    %add3A_289 = vector.broadcast %mul3A_288 : i32 to vector<256x1xi32>
    %add3A_290 = arith.addi %convert_element_type3A_286, %add3A_289 : vector<256x1xi32>
    %broadcast_in_dim3A_291 = vector.shape_cast %add3A_290 : vector<256x1xi32> to vector<256x1xi32>
    %broadcast_in_dim3A_292 = vector.broadcast %broadcast_in_dim3A_291 : vector<256x1xi32> to vector<256x16xi32>
    %select_n3A_293 = arith.select %eq3A_285, %broadcast_in_dim3A_292, %select_n3A_266 : vector<256x16xi1>, vector<256x16xi32>
    %eq3A_294 = vector.broadcast %broadcast_in_dim3A_282 : vector<256x1xf32> to vector<256x4096xf32>
    %eq3A_295 = arith.cmpf oeq, %convert_element_type3A_84, %eq3A_294 : vector<256x4096xf32>
    %jit3A_296 = arith.constant 0x7F800000 : f32
    %broadcast_in_dim3A_297 = vector.broadcast %jit3A_296 : f32 to vector<256x4096xf32>
    %select_n3A_298 = arith.select %eq3A_295, %broadcast_in_dim3A_297, %select_n3A_271 : vector<256x4096xi1>, vector<256x4096xf32>
    %reduce_min3A_299 = arith.constant dense<0x7F800000> : vector<256xf32>
    %reduce_min3A_300 = vector.multi_reduction <minimumf>, %select_n3A_298, %reduce_min3A_299 [1] : vector<256x4096xf32> to vector<256xf32>
    %broadcast_in_dim3A_301 = vector.shape_cast %reduce_min3A_300 : vector<256xf32> to vector<256x1xf32>
    %eq3A_302 = vector.broadcast %broadcast_in_dim3A_301 : vector<256x1xf32> to vector<256x4096xf32>
    %eq3A_303 = arith.cmpf oeq, %select_n3A_298, %eq3A_302 : vector<256x4096xf32>
    %jit3A_304 = arith.constant 4.096000e+03 : f32
    %broadcast_in_dim3A_305 = vector.broadcast %jit3A_304 : f32 to vector<256x4096xf32>
    %select_n3A_306 = arith.select %eq3A_303, %convert_element_type3A_84, %broadcast_in_dim3A_305 : vector<256x4096xi1>, vector<256x4096xf32>
    %reduce_min3A_307 = arith.constant dense<0x7F800000> : vector<256xf32>
    %reduce_min3A_308 = vector.multi_reduction <minimumf>, %select_n3A_306, %reduce_min3A_307 [1] : vector<256x4096xf32> to vector<256xf32>
    %broadcast_in_dim3A_309 = vector.shape_cast %reduce_min3A_308 : vector<256xf32> to vector<256x1xf32>
    %eq3A_310 = arith.constant 8 : i32
    %eq3A_311 = vector.broadcast %eq3A_310 : i32 to vector<256x16xi32>
    %eq3A_312 = arith.cmpi eq, %iota3A_85, %eq3A_311 : vector<256x16xi32>
    %convert_element_type3A_313 = arith.fptosi %broadcast_in_dim3A_309 : vector<256x1xf32> to vector<256x1xi32>
    %mul3A_314 = arith.constant 4096 : i32
    %mul3A_315 = arith.muli %arg0, %mul3A_314 : i32
    %add3A_316 = vector.broadcast %mul3A_315 : i32 to vector<256x1xi32>
    %add3A_317 = arith.addi %convert_element_type3A_313, %add3A_316 : vector<256x1xi32>
    %broadcast_in_dim3A_318 = vector.shape_cast %add3A_317 : vector<256x1xi32> to vector<256x1xi32>
    %broadcast_in_dim3A_319 = vector.broadcast %broadcast_in_dim3A_318 : vector<256x1xi32> to vector<256x16xi32>
    %select_n3A_320 = arith.select %eq3A_312, %broadcast_in_dim3A_319, %select_n3A_293 : vector<256x16xi1>, vector<256x16xi32>
    %swap3A_321 = arith.constant 0 : index
    %swap3A_322 = arith.constant 0 : index
    %swap3A_323 = arith.constant 0 : index
    %swap3A_324 = vector.load %arg8[%swap3A_321, %swap3A_322, %swap3A_323] : memref<1x256x16xi32, #tpu.memory_space<vmem>>, vector<1x256x16xi32>
    %swap3A_325 = vector.shape_cast %swap3A_324 : vector<1x256x16xi32> to vector<256x16xi32>
    %swap3A_326 = vector.shape_cast %select_n3A_320 : vector<256x16xi32> to vector<1x256x16xi32>
    tpu.vector_store %arg8[%swap3A_321, %swap3A_322, %swap3A_323], %swap3A_326 {strides = array<i32>} : memref<1x256x16xi32, #tpu.memory_space<vmem>>, vector<1x256x16xi32>,
    return
  }
  func.func @transform_0(%arg0: i32, %arg1: i32) -> (i32, i32, i32) {
    %c0_i32 = arith.constant 0 : i32
    %c0_i32_0 = arith.constant 0 : i32
    return %arg0, %arg1, %c0_i32 : i32, i32, i32
  }
  func.func @transform_1(%arg0: i32, %arg1: i32) -> (i32, i32, i32) {
    %c0_i32 = arith.constant 0 : i32
    %c0_i32_0 = arith.constant 0 : i32
    %c0_i32_1 = arith.constant 0 : i32
    return %arg0, %c0_i32, %c0_i32_0 : i32, i32, i32
  }
  func.func @transform_2(%arg0: i32, %arg1: i32) -> (i32, i32, i32) {
    %c0_i32 = arith.constant 0 : i32
    %c0_i32_0 = arith.constant 0 : i32
    return %arg0, %arg1, %c0_i32 : i32, i32, i32
  }
  func.func @transform_3(%arg0: i32, %arg1: i32) -> (i32, i32) {
    %c0_i32 = arith.constant 0 : i32
    %c0_i32_0 = arith.constant 0 : i32
    %c0_i32_1 = arith.constant 0 : i32
    return %c0_i32, %c0_i32_0 : i32, i32
  }
  func.func @transform_4(%arg0: i32, %arg1: i32) -> (i32, i32, i32) {
    %c0_i32 = arith.constant 0 : i32
    %c0_i32_0 = arith.constant 0 : i32
    return %arg0, %arg1, %c0_i32 : i32, i32, i32
  }
  func.func @transform_5(%arg0: i32, %arg1: i32) -> (i32, i32, i32) {
    %c0_i32 = arith.constant 0 : i32
    %c0_i32_0 = arith.constant 0 : i32
    return %arg0, %arg1, %c0_i32 : i32, i32, i32
  }
  func.func @transform_6(%arg0: i32, %arg1: i32) -> (i32, i32, i32) {
    %c0_i32 = arith.constant 0 : i32
    %c0_i32_0 = arith.constant 0 : i32
    return %arg0, %arg1, %c0_i32 : i32, i32, i32
  }
}

module attributes {stable_mosaic.version = 14 : i64} {
  func.func @_attn_body(%arg0: i32, %arg1: i32, %arg2: memref<1x512x128xf32, #tpu.memory_space<vmem>>, %arg3: memref<9x1x512x256xf32, #tpu.memory_space<vmem>>, %arg4: memref<1x512x128xf32, #tpu.memory_space<vmem>>, %arg5: memref<128x128xf32, #tpu.memory_space<vmem>>, %arg6: memref<1x128xf32, #tpu.memory_space<vmem>>, %arg7: memref<1x512x128xf32, #tpu.memory_space<vmem>>) attributes {dimension_semantics = [#tpu.dimension_semantics<parallel>, #tpu.dimension_semantics<parallel>], iteration_bounds = array<i64: 1, 8>, scalar_prefetch = 0 : i64, scratch_operands = 0 : i64, tpu.core_type = #tpu.core_type<tc>, window_params = [{transform_indices = @transform_0, window_bounds = array<i64: 1, 512, 128>}, {transform_indices = @transform_1, window_bounds = array<i64: 9, 1, 512, 256>}, {transform_indices = @transform_2, window_bounds = array<i64: 1, 512, 128>}, {pipeline_mode = #tpu.pipeline_mode<synchronous>, transform_indices = @transform_3, window_bounds = array<i64: 128, 128>}, {pipeline_mode = #tpu.pipeline_mode<synchronous>, transform_indices = @transform_4, window_bounds = array<i64: 1, 128>}, {transform_indices = @transform_5, window_bounds = array<i64: 1, 512, 128>}]} {
    %get3A = arith.constant 0 : index
    %get3A_0 = arith.constant 0 : index
    %get3A_1 = arith.constant 0 : index
    %get3A_2 = vector.load %arg2[%get3A, %get3A_0, %get3A_1] : memref<1x512x128xf32, #tpu.memory_space<vmem>>, vector<1x512x128xf32>
    %get3A_3 = vector.shape_cast %get3A_2 : vector<1x512x128xf32> to vector<512x128xf32>
    %iota3A = tpu.iota {dimensions = array<i32: 0>} : vector<128x4xi32>
    %iota3A_4 = tpu.iota {dimensions = array<i32: 1>} : vector<128x4xi32>
    %jit3A = arith.constant 32 : i32
    %div3A = vector.broadcast %jit3A : i32 to vector<128x4xi32>
    %div3A_5 = arith.divsi %iota3A, %div3A : vector<128x4xi32>
    %sign3A = arith.constant 0 : i32
    %sign3A_6 = vector.broadcast %sign3A : i32 to vector<128x4xi32>
    %sign3A_7 = arith.cmpi sgt, %iota3A, %sign3A_6 : vector<128x4xi32>
    %sign3A_8 = arith.extui %sign3A_7 : vector<128x4xi1> to vector<128x4xi32>
    %sign3A_9 = arith.constant 0 : i32
    %sign3A_10 = vector.broadcast %sign3A_9 : i32 to vector<128x4xi32>
    %sign3A_11 = arith.cmpi slt, %iota3A, %sign3A_10 : vector<128x4xi32>
    %sign3A_12 = arith.extui %sign3A_11 : vector<128x4xi1> to vector<128x4xi32>
    %sign3A_13 = arith.subi %sign3A_8, %sign3A_12 : vector<128x4xi32>
    %sign3A_14 = arith.constant 0 : i32
    %sign3A_15 = arith.cmpi sgt, %jit3A, %sign3A_14 : i32
    %sign3A_16 = arith.extui %sign3A_15 : i1 to i32
    %sign3A_17 = arith.constant 0 : i32
    %sign3A_18 = arith.cmpi slt, %jit3A, %sign3A_17 : i32
    %sign3A_19 = arith.extui %sign3A_18 : i1 to i32
    %sign3A_20 = arith.subi %sign3A_16, %sign3A_19 : i32
    %ne3A = vector.broadcast %sign3A_20 : i32 to vector<128x4xi32>
    %ne3A_21 = arith.cmpi ne, %sign3A_13, %ne3A : vector<128x4xi32>
    %rem3A = vector.broadcast %jit3A : i32 to vector<128x4xi32>
    %rem3A_22 = arith.remsi %iota3A, %rem3A : vector<128x4xi32>
    %ne3A_23 = arith.constant 0 : i32
    %ne3A_24 = vector.broadcast %ne3A_23 : i32 to vector<128x4xi32>
    %ne3A_25 = arith.cmpi ne, %rem3A_22, %ne3A_24 : vector<128x4xi32>
    %and3A = arith.andi %ne3A_21, %ne3A_25 : vector<128x4xi1>
    %sub3A = arith.constant 1 : i32
    %sub3A_26 = vector.broadcast %sub3A : i32 to vector<128x4xi32>
    %sub3A_27 = arith.subi %div3A_5, %sub3A_26 : vector<128x4xi32>
    %select_n3A = arith.select %and3A, %sub3A_27, %div3A_5 : vector<128x4xi1>, vector<128x4xi32>
    %eq3A = arith.cmpi eq, %select_n3A, %iota3A_4 : vector<128x4xi32>
    %convert_element_type3A = arith.extui %eq3A : vector<128x4xi1> to vector<128x4xi32>
    %convert_element_type3A_28 = arith.sitofp %convert_element_type3A : vector<128x4xi32> to vector<128x4xf32>
    %iota3A_29 = tpu.iota {dimensions = array<i32: 0>} : vector<4x128xi32>
    %iota3A_30 = tpu.iota {dimensions = array<i32: 1>} : vector<4x128xi32>
    %jit3A_31 = arith.constant 32 : i32
    %div3A_32 = vector.broadcast %jit3A_31 : i32 to vector<4x128xi32>
    %div3A_33 = arith.divsi %iota3A_30, %div3A_32 : vector<4x128xi32>
    %sign3A_34 = arith.constant 0 : i32
    %sign3A_35 = vector.broadcast %sign3A_34 : i32 to vector<4x128xi32>
    %sign3A_36 = arith.cmpi sgt, %iota3A_30, %sign3A_35 : vector<4x128xi32>
    %sign3A_37 = arith.extui %sign3A_36 : vector<4x128xi1> to vector<4x128xi32>
    %sign3A_38 = arith.constant 0 : i32
    %sign3A_39 = vector.broadcast %sign3A_38 : i32 to vector<4x128xi32>
    %sign3A_40 = arith.cmpi slt, %iota3A_30, %sign3A_39 : vector<4x128xi32>
    %sign3A_41 = arith.extui %sign3A_40 : vector<4x128xi1> to vector<4x128xi32>
    %sign3A_42 = arith.subi %sign3A_37, %sign3A_41 : vector<4x128xi32>
    %sign3A_43 = arith.constant 0 : i32
    %sign3A_44 = arith.cmpi sgt, %jit3A_31, %sign3A_43 : i32
    %sign3A_45 = arith.extui %sign3A_44 : i1 to i32
    %sign3A_46 = arith.constant 0 : i32
    %sign3A_47 = arith.cmpi slt, %jit3A_31, %sign3A_46 : i32
    %sign3A_48 = arith.extui %sign3A_47 : i1 to i32
    %sign3A_49 = arith.subi %sign3A_45, %sign3A_48 : i32
    %ne3A_50 = vector.broadcast %sign3A_49 : i32 to vector<4x128xi32>
    %ne3A_51 = arith.cmpi ne, %sign3A_42, %ne3A_50 : vector<4x128xi32>
    %rem3A_52 = vector.broadcast %jit3A_31 : i32 to vector<4x128xi32>
    %rem3A_53 = arith.remsi %iota3A_30, %rem3A_52 : vector<4x128xi32>
    %ne3A_54 = arith.constant 0 : i32
    %ne3A_55 = vector.broadcast %ne3A_54 : i32 to vector<4x128xi32>
    %ne3A_56 = arith.cmpi ne, %rem3A_53, %ne3A_55 : vector<4x128xi32>
    %and3A_57 = arith.andi %ne3A_51, %ne3A_56 : vector<4x128xi1>
    %sub3A_58 = arith.constant 1 : i32
    %sub3A_59 = vector.broadcast %sub3A_58 : i32 to vector<4x128xi32>
    %sub3A_60 = arith.subi %div3A_33, %sub3A_59 : vector<4x128xi32>
    %select_n3A_61 = arith.select %and3A_57, %sub3A_60, %div3A_33 : vector<4x128xi1>, vector<4x128xi32>
    %eq3A_62 = arith.cmpi eq, %select_n3A_61, %iota3A_29 : vector<4x128xi32>
    %convert_element_type3A_63 = arith.extui %eq3A_62 : vector<4x128xi1> to vector<4x128xi32>
    %convert_element_type3A_64 = arith.sitofp %convert_element_type3A_63 : vector<4x128xi32> to vector<4x128xf32>
    %get3A_65 = arith.constant 0 : index
    %get3A_66 = arith.constant 0 : index
    %get3A_67 = arith.constant 0 : index
    %get3A_68 = arith.constant 0 : index
    %get3A_69 = vector.load %arg3[%get3A_65, %get3A_66, %get3A_67, %get3A_68] : memref<9x1x512x256xf32, #tpu.memory_space<vmem>>, vector<1x1x512x128xf32>
    %get3A_70 = vector.shape_cast %get3A_69 : vector<1x1x512x128xf32> to vector<512x128xf32>
    %mul3A = arith.mulf %get3A_3, %get3A_70 : vector<512x128xf32>
    %dot_general3A = arith.constant dense<0.000000e+00> : vector<512x4xf32>
    %dot_general3A_71 = tpu.matmul %mul3A, %convert_element_type3A_28, %dot_general3A {dimension_numbers = #tpu.dot_dimension_numbers<[1], [0], [0], [1], [0, 0, 1, 1], [], []>, transpose_lhs_hint = false} : vector<512x128xf32>, vector<128x4xf32>, vector<512x4xf32> -> vector<512x4xf32>
    %mul3A_72 = arith.constant 0.176776692 : f32
    %mul3A_73 = vector.broadcast %mul3A_72 : f32 to vector<512x4xf32>
    %mul3A_74 = arith.mulf %dot_general3A_71, %mul3A_73 : vector<512x4xf32>
    %get3A_75 = arith.constant 1 : index
    %get3A_76 = arith.constant 0 : index
    %get3A_77 = arith.constant 0 : index
    %get3A_78 = arith.constant 0 : index
    %get3A_79 = vector.load %arg3[%get3A_75, %get3A_76, %get3A_77, %get3A_78] : memref<9x1x512x256xf32, #tpu.memory_space<vmem>>, vector<1x1x512x128xf32>
    %get3A_80 = vector.shape_cast %get3A_79 : vector<1x1x512x128xf32> to vector<512x128xf32>
    %mul3A_81 = arith.mulf %get3A_3, %get3A_80 : vector<512x128xf32>
    %dot_general3A_82 = arith.constant dense<0.000000e+00> : vector<512x4xf32>
    %dot_general3A_83 = tpu.matmul %mul3A_81, %convert_element_type3A_28, %dot_general3A_82 {dimension_numbers = #tpu.dot_dimension_numbers<[1], [0], [0], [1], [0, 0, 1, 1], [], []>, transpose_lhs_hint = false} : vector<512x128xf32>, vector<128x4xf32>, vector<512x4xf32> -> vector<512x4xf32>
    %mul3A_84 = arith.constant 0.176776692 : f32
    %mul3A_85 = vector.broadcast %mul3A_84 : f32 to vector<512x4xf32>
    %mul3A_86 = arith.mulf %dot_general3A_83, %mul3A_85 : vector<512x4xf32>
    %get3A_87 = arith.constant 2 : index
    %get3A_88 = arith.constant 0 : index
    %get3A_89 = arith.constant 0 : index
    %get3A_90 = arith.constant 0 : index
    %get3A_91 = vector.load %arg3[%get3A_87, %get3A_88, %get3A_89, %get3A_90] : memref<9x1x512x256xf32, #tpu.memory_space<vmem>>, vector<1x1x512x128xf32>
    %get3A_92 = vector.shape_cast %get3A_91 : vector<1x1x512x128xf32> to vector<512x128xf32>
    %mul3A_93 = arith.mulf %get3A_3, %get3A_92 : vector<512x128xf32>
    %dot_general3A_94 = arith.constant dense<0.000000e+00> : vector<512x4xf32>
    %dot_general3A_95 = tpu.matmul %mul3A_93, %convert_element_type3A_28, %dot_general3A_94 {dimension_numbers = #tpu.dot_dimension_numbers<[1], [0], [0], [1], [0, 0, 1, 1], [], []>, transpose_lhs_hint = false} : vector<512x128xf32>, vector<128x4xf32>, vector<512x4xf32> -> vector<512x4xf32>
    %mul3A_96 = arith.constant 0.176776692 : f32
    %mul3A_97 = vector.broadcast %mul3A_96 : f32 to vector<512x4xf32>
    %mul3A_98 = arith.mulf %dot_general3A_95, %mul3A_97 : vector<512x4xf32>
    %get3A_99 = arith.constant 3 : index
    %get3A_100 = arith.constant 0 : index
    %get3A_101 = arith.constant 0 : index
    %get3A_102 = arith.constant 0 : index
    %get3A_103 = vector.load %arg3[%get3A_99, %get3A_100, %get3A_101, %get3A_102] : memref<9x1x512x256xf32, #tpu.memory_space<vmem>>, vector<1x1x512x128xf32>
    %get3A_104 = vector.shape_cast %get3A_103 : vector<1x1x512x128xf32> to vector<512x128xf32>
    %mul3A_105 = arith.mulf %get3A_3, %get3A_104 : vector<512x128xf32>
    %dot_general3A_106 = arith.constant dense<0.000000e+00> : vector<512x4xf32>
    %dot_general3A_107 = tpu.matmul %mul3A_105, %convert_element_type3A_28, %dot_general3A_106 {dimension_numbers = #tpu.dot_dimension_numbers<[1], [0], [0], [1], [0, 0, 1, 1], [], []>, transpose_lhs_hint = false} : vector<512x128xf32>, vector<128x4xf32>, vector<512x4xf32> -> vector<512x4xf32>
    %mul3A_108 = arith.constant 0.176776692 : f32
    %mul3A_109 = vector.broadcast %mul3A_108 : f32 to vector<512x4xf32>
    %mul3A_110 = arith.mulf %dot_general3A_107, %mul3A_109 : vector<512x4xf32>
    %get3A_111 = arith.constant 4 : index
    %get3A_112 = arith.constant 0 : index
    %get3A_113 = arith.constant 0 : index
    %get3A_114 = arith.constant 0 : index
    %get3A_115 = vector.load %arg3[%get3A_111, %get3A_112, %get3A_113, %get3A_114] : memref<9x1x512x256xf32, #tpu.memory_space<vmem>>, vector<1x1x512x128xf32>
    %get3A_116 = vector.shape_cast %get3A_115 : vector<1x1x512x128xf32> to vector<512x128xf32>
    %mul3A_117 = arith.mulf %get3A_3, %get3A_116 : vector<512x128xf32>
    %dot_general3A_118 = arith.constant dense<0.000000e+00> : vector<512x4xf32>
    %dot_general3A_119 = tpu.matmul %mul3A_117, %convert_element_type3A_28, %dot_general3A_118 {dimension_numbers = #tpu.dot_dimension_numbers<[1], [0], [0], [1], [0, 0, 1, 1], [], []>, transpose_lhs_hint = false} : vector<512x128xf32>, vector<128x4xf32>, vector<512x4xf32> -> vector<512x4xf32>
    %mul3A_120 = arith.constant 0.176776692 : f32
    %mul3A_121 = vector.broadcast %mul3A_120 : f32 to vector<512x4xf32>
    %mul3A_122 = arith.mulf %dot_general3A_119, %mul3A_121 : vector<512x4xf32>
    %get3A_123 = arith.constant 5 : index
    %get3A_124 = arith.constant 0 : index
    %get3A_125 = arith.constant 0 : index
    %get3A_126 = arith.constant 0 : index
    %get3A_127 = vector.load %arg3[%get3A_123, %get3A_124, %get3A_125, %get3A_126] : memref<9x1x512x256xf32, #tpu.memory_space<vmem>>, vector<1x1x512x128xf32>
    %get3A_128 = vector.shape_cast %get3A_127 : vector<1x1x512x128xf32> to vector<512x128xf32>
    %mul3A_129 = arith.mulf %get3A_3, %get3A_128 : vector<512x128xf32>
    %dot_general3A_130 = arith.constant dense<0.000000e+00> : vector<512x4xf32>
    %dot_general3A_131 = tpu.matmul %mul3A_129, %convert_element_type3A_28, %dot_general3A_130 {dimension_numbers = #tpu.dot_dimension_numbers<[1], [0], [0], [1], [0, 0, 1, 1], [], []>, transpose_lhs_hint = false} : vector<512x128xf32>, vector<128x4xf32>, vector<512x4xf32> -> vector<512x4xf32>
    %mul3A_132 = arith.constant 0.176776692 : f32
    %mul3A_133 = vector.broadcast %mul3A_132 : f32 to vector<512x4xf32>
    %mul3A_134 = arith.mulf %dot_general3A_131, %mul3A_133 : vector<512x4xf32>
    %get3A_135 = arith.constant 6 : index
    %get3A_136 = arith.constant 0 : index
    %get3A_137 = arith.constant 0 : index
    %get3A_138 = arith.constant 0 : index
    %get3A_139 = vector.load %arg3[%get3A_135, %get3A_136, %get3A_137, %get3A_138] : memref<9x1x512x256xf32, #tpu.memory_space<vmem>>, vector<1x1x512x128xf32>
    %get3A_140 = vector.shape_cast %get3A_139 : vector<1x1x512x128xf32> to vector<512x128xf32>
    %mul3A_141 = arith.mulf %get3A_3, %get3A_140 : vector<512x128xf32>
    %dot_general3A_142 = arith.constant dense<0.000000e+00> : vector<512x4xf32>
    %dot_general3A_143 = tpu.matmul %mul3A_141, %convert_element_type3A_28, %dot_general3A_142 {dimension_numbers = #tpu.dot_dimension_numbers<[1], [0], [0], [1], [0, 0, 1, 1], [], []>, transpose_lhs_hint = false} : vector<512x128xf32>, vector<128x4xf32>, vector<512x4xf32> -> vector<512x4xf32>
    %mul3A_144 = arith.constant 0.176776692 : f32
    %mul3A_145 = vector.broadcast %mul3A_144 : f32 to vector<512x4xf32>
    %mul3A_146 = arith.mulf %dot_general3A_143, %mul3A_145 : vector<512x4xf32>
    %get3A_147 = arith.constant 7 : index
    %get3A_148 = arith.constant 0 : index
    %get3A_149 = arith.constant 0 : index
    %get3A_150 = arith.constant 0 : index
    %get3A_151 = vector.load %arg3[%get3A_147, %get3A_148, %get3A_149, %get3A_150] : memref<9x1x512x256xf32, #tpu.memory_space<vmem>>, vector<1x1x512x128xf32>
    %get3A_152 = vector.shape_cast %get3A_151 : vector<1x1x512x128xf32> to vector<512x128xf32>
    %mul3A_153 = arith.mulf %get3A_3, %get3A_152 : vector<512x128xf32>
    %dot_general3A_154 = arith.constant dense<0.000000e+00> : vector<512x4xf32>
    %dot_general3A_155 = tpu.matmul %mul3A_153, %convert_element_type3A_28, %dot_general3A_154 {dimension_numbers = #tpu.dot_dimension_numbers<[1], [0], [0], [1], [0, 0, 1, 1], [], []>, transpose_lhs_hint = false} : vector<512x128xf32>, vector<128x4xf32>, vector<512x4xf32> -> vector<512x4xf32>
    %mul3A_156 = arith.constant 0.176776692 : f32
    %mul3A_157 = vector.broadcast %mul3A_156 : f32 to vector<512x4xf32>
    %mul3A_158 = arith.mulf %dot_general3A_155, %mul3A_157 : vector<512x4xf32>
    %get3A_159 = arith.constant 8 : index
    %get3A_160 = arith.constant 0 : index
    %get3A_161 = arith.constant 0 : index
    %get3A_162 = arith.constant 0 : index
    %get3A_163 = vector.load %arg3[%get3A_159, %get3A_160, %get3A_161, %get3A_162] : memref<9x1x512x256xf32, #tpu.memory_space<vmem>>, vector<1x1x512x128xf32>
    %get3A_164 = vector.shape_cast %get3A_163 : vector<1x1x512x128xf32> to vector<512x128xf32>
    %mul3A_165 = arith.mulf %get3A_3, %get3A_164 : vector<512x128xf32>
    %dot_general3A_166 = arith.constant dense<0.000000e+00> : vector<512x4xf32>
    %dot_general3A_167 = tpu.matmul %mul3A_165, %convert_element_type3A_28, %dot_general3A_166 {dimension_numbers = #tpu.dot_dimension_numbers<[1], [0], [0], [1], [0, 0, 1, 1], [], []>, transpose_lhs_hint = false} : vector<512x128xf32>, vector<128x4xf32>, vector<512x4xf32> -> vector<512x4xf32>
    %mul3A_168 = arith.constant 0.176776692 : f32
    %mul3A_169 = vector.broadcast %mul3A_168 : f32 to vector<512x4xf32>
    %mul3A_170 = arith.mulf %dot_general3A_167, %mul3A_169 : vector<512x4xf32>
    %max3A = arith.maximumf %mul3A_74, %mul3A_86 : vector<512x4xf32>
    %max3A_171 = arith.maximumf %max3A, %mul3A_98 : vector<512x4xf32>
    %max3A_172 = arith.maximumf %max3A_171, %mul3A_110 : vector<512x4xf32>
    %max3A_173 = arith.maximumf %max3A_172, %mul3A_122 : vector<512x4xf32>
    %max3A_174 = arith.maximumf %max3A_173, %mul3A_134 : vector<512x4xf32>
    %max3A_175 = arith.maximumf %max3A_174, %mul3A_146 : vector<512x4xf32>
    %max3A_176 = arith.maximumf %max3A_175, %mul3A_158 : vector<512x4xf32>
    %max3A_177 = arith.maximumf %max3A_176, %mul3A_170 : vector<512x4xf32>
    %sub3A_178 = arith.subf %mul3A_74, %max3A_177 : vector<512x4xf32>
    %exp3A = math.exp %sub3A_178 : vector<512x4xf32>
    %sub3A_179 = arith.subf %mul3A_86, %max3A_177 : vector<512x4xf32>
    %exp3A_180 = math.exp %sub3A_179 : vector<512x4xf32>
    %sub3A_181 = arith.subf %mul3A_98, %max3A_177 : vector<512x4xf32>
    %exp3A_182 = math.exp %sub3A_181 : vector<512x4xf32>
    %sub3A_183 = arith.subf %mul3A_110, %max3A_177 : vector<512x4xf32>
    %exp3A_184 = math.exp %sub3A_183 : vector<512x4xf32>
    %sub3A_185 = arith.subf %mul3A_122, %max3A_177 : vector<512x4xf32>
    %exp3A_186 = math.exp %sub3A_185 : vector<512x4xf32>
    %sub3A_187 = arith.subf %mul3A_134, %max3A_177 : vector<512x4xf32>
    %exp3A_188 = math.exp %sub3A_187 : vector<512x4xf32>
    %sub3A_189 = arith.subf %mul3A_146, %max3A_177 : vector<512x4xf32>
    %exp3A_190 = math.exp %sub3A_189 : vector<512x4xf32>
    %sub3A_191 = arith.subf %mul3A_158, %max3A_177 : vector<512x4xf32>
    %exp3A_192 = math.exp %sub3A_191 : vector<512x4xf32>
    %sub3A_193 = arith.subf %mul3A_170, %max3A_177 : vector<512x4xf32>
    %exp3A_194 = math.exp %sub3A_193 : vector<512x4xf32>
    %add3A = arith.addf %exp3A, %exp3A_180 : vector<512x4xf32>
    %add3A_195 = arith.addf %add3A, %exp3A_182 : vector<512x4xf32>
    %add3A_196 = arith.addf %add3A_195, %exp3A_184 : vector<512x4xf32>
    %add3A_197 = arith.addf %add3A_196, %exp3A_186 : vector<512x4xf32>
    %add3A_198 = arith.addf %add3A_197, %exp3A_188 : vector<512x4xf32>
    %add3A_199 = arith.addf %add3A_198, %exp3A_190 : vector<512x4xf32>
    %add3A_200 = arith.addf %add3A_199, %exp3A_192 : vector<512x4xf32>
    %add3A_201 = arith.addf %add3A_200, %exp3A_194 : vector<512x4xf32>
    %div3A_202 = arith.constant 1.000000e+00 : f32
    %div3A_203 = vector.broadcast %div3A_202 : f32 to vector<512x4xf32>
    %div3A_204 = arith.divf %div3A_203, %add3A_201 : vector<512x4xf32>
    %broadcast_in_dim3A = arith.constant 0.000000e+00 : f32
    %broadcast_in_dim3A_205 = vector.broadcast %broadcast_in_dim3A : f32 to vector<512x128xf32>
    %mul3A_206 = arith.mulf %exp3A, %div3A_204 : vector<512x4xf32>
    %dot_general3A_207 = arith.constant dense<0.000000e+00> : vector<512x128xf32>
    %dot_general3A_208 = tpu.matmul %mul3A_206, %convert_element_type3A_64, %dot_general3A_207 {dimension_numbers = #tpu.dot_dimension_numbers<[1], [0], [0], [1], [0, 0, 1, 1], [], []>, transpose_lhs_hint = false} : vector<512x4xf32>, vector<4x128xf32>, vector<512x128xf32> -> vector<512x128xf32>
    %get3A_209 = arith.constant 0 : index
    %get3A_210 = arith.constant 0 : index
    %get3A_211 = arith.constant 0 : index
    %get3A_212 = arith.constant 128 : index
    %get3A_213 = vector.load %arg3[%get3A_209, %get3A_210, %get3A_211, %get3A_212] : memref<9x1x512x256xf32, #tpu.memory_space<vmem>>, vector<1x1x512x128xf32>
    %get3A_214 = vector.shape_cast %get3A_213 : vector<1x1x512x128xf32> to vector<512x128xf32>
    %mul3A_215 = arith.mulf %dot_general3A_208, %get3A_214 : vector<512x128xf32>
    %add3A_216 = arith.addf %broadcast_in_dim3A_205, %mul3A_215 : vector<512x128xf32>
    %mul3A_217 = arith.mulf %exp3A_180, %div3A_204 : vector<512x4xf32>
    %dot_general3A_218 = arith.constant dense<0.000000e+00> : vector<512x128xf32>
    %dot_general3A_219 = tpu.matmul %mul3A_217, %convert_element_type3A_64, %dot_general3A_218 {dimension_numbers = #tpu.dot_dimension_numbers<[1], [0], [0], [1], [0, 0, 1, 1], [], []>, transpose_lhs_hint = false} : vector<512x4xf32>, vector<4x128xf32>, vector<512x128xf32> -> vector<512x128xf32>
    %get3A_220 = arith.constant 1 : index
    %get3A_221 = arith.constant 0 : index
    %get3A_222 = arith.constant 0 : index
    %get3A_223 = arith.constant 128 : index
    %get3A_224 = vector.load %arg3[%get3A_220, %get3A_221, %get3A_222, %get3A_223] : memref<9x1x512x256xf32, #tpu.memory_space<vmem>>, vector<1x1x512x128xf32>
    %get3A_225 = vector.shape_cast %get3A_224 : vector<1x1x512x128xf32> to vector<512x128xf32>
    %mul3A_226 = arith.mulf %dot_general3A_219, %get3A_225 : vector<512x128xf32>
    %add3A_227 = arith.addf %add3A_216, %mul3A_226 : vector<512x128xf32>
    %mul3A_228 = arith.mulf %exp3A_182, %div3A_204 : vector<512x4xf32>
    %dot_general3A_229 = arith.constant dense<0.000000e+00> : vector<512x128xf32>
    %dot_general3A_230 = tpu.matmul %mul3A_228, %convert_element_type3A_64, %dot_general3A_229 {dimension_numbers = #tpu.dot_dimension_numbers<[1], [0], [0], [1], [0, 0, 1, 1], [], []>, transpose_lhs_hint = false} : vector<512x4xf32>, vector<4x128xf32>, vector<512x128xf32> -> vector<512x128xf32>
    %get3A_231 = arith.constant 2 : index
    %get3A_232 = arith.constant 0 : index
    %get3A_233 = arith.constant 0 : index
    %get3A_234 = arith.constant 128 : index
    %get3A_235 = vector.load %arg3[%get3A_231, %get3A_232, %get3A_233, %get3A_234] : memref<9x1x512x256xf32, #tpu.memory_space<vmem>>, vector<1x1x512x128xf32>
    %get3A_236 = vector.shape_cast %get3A_235 : vector<1x1x512x128xf32> to vector<512x128xf32>
    %mul3A_237 = arith.mulf %dot_general3A_230, %get3A_236 : vector<512x128xf32>
    %add3A_238 = arith.addf %add3A_227, %mul3A_237 : vector<512x128xf32>
    %mul3A_239 = arith.mulf %exp3A_184, %div3A_204 : vector<512x4xf32>
    %dot_general3A_240 = arith.constant dense<0.000000e+00> : vector<512x128xf32>
    %dot_general3A_241 = tpu.matmul %mul3A_239, %convert_element_type3A_64, %dot_general3A_240 {dimension_numbers = #tpu.dot_dimension_numbers<[1], [0], [0], [1], [0, 0, 1, 1], [], []>, transpose_lhs_hint = false} : vector<512x4xf32>, vector<4x128xf32>, vector<512x128xf32> -> vector<512x128xf32>
    %get3A_242 = arith.constant 3 : index
    %get3A_243 = arith.constant 0 : index
    %get3A_244 = arith.constant 0 : index
    %get3A_245 = arith.constant 128 : index
    %get3A_246 = vector.load %arg3[%get3A_242, %get3A_243, %get3A_244, %get3A_245] : memref<9x1x512x256xf32, #tpu.memory_space<vmem>>, vector<1x1x512x128xf32>
    %get3A_247 = vector.shape_cast %get3A_246 : vector<1x1x512x128xf32> to vector<512x128xf32>
    %mul3A_248 = arith.mulf %dot_general3A_241, %get3A_247 : vector<512x128xf32>
    %add3A_249 = arith.addf %add3A_238, %mul3A_248 : vector<512x128xf32>
    %mul3A_250 = arith.mulf %exp3A_186, %div3A_204 : vector<512x4xf32>
    %dot_general3A_251 = arith.constant dense<0.000000e+00> : vector<512x128xf32>
    %dot_general3A_252 = tpu.matmul %mul3A_250, %convert_element_type3A_64, %dot_general3A_251 {dimension_numbers = #tpu.dot_dimension_numbers<[1], [0], [0], [1], [0, 0, 1, 1], [], []>, transpose_lhs_hint = false} : vector<512x4xf32>, vector<4x128xf32>, vector<512x128xf32> -> vector<512x128xf32>
    %get3A_253 = arith.constant 4 : index
    %get3A_254 = arith.constant 0 : index
    %get3A_255 = arith.constant 0 : index
    %get3A_256 = arith.constant 128 : index
    %get3A_257 = vector.load %arg3[%get3A_253, %get3A_254, %get3A_255, %get3A_256] : memref<9x1x512x256xf32, #tpu.memory_space<vmem>>, vector<1x1x512x128xf32>
    %get3A_258 = vector.shape_cast %get3A_257 : vector<1x1x512x128xf32> to vector<512x128xf32>
    %mul3A_259 = arith.mulf %dot_general3A_252, %get3A_258 : vector<512x128xf32>
    %add3A_260 = arith.addf %add3A_249, %mul3A_259 : vector<512x128xf32>
    %mul3A_261 = arith.mulf %exp3A_188, %div3A_204 : vector<512x4xf32>
    %dot_general3A_262 = arith.constant dense<0.000000e+00> : vector<512x128xf32>
    %dot_general3A_263 = tpu.matmul %mul3A_261, %convert_element_type3A_64, %dot_general3A_262 {dimension_numbers = #tpu.dot_dimension_numbers<[1], [0], [0], [1], [0, 0, 1, 1], [], []>, transpose_lhs_hint = false} : vector<512x4xf32>, vector<4x128xf32>, vector<512x128xf32> -> vector<512x128xf32>
    %get3A_264 = arith.constant 5 : index
    %get3A_265 = arith.constant 0 : index
    %get3A_266 = arith.constant 0 : index
    %get3A_267 = arith.constant 128 : index
    %get3A_268 = vector.load %arg3[%get3A_264, %get3A_265, %get3A_266, %get3A_267] : memref<9x1x512x256xf32, #tpu.memory_space<vmem>>, vector<1x1x512x128xf32>
    %get3A_269 = vector.shape_cast %get3A_268 : vector<1x1x512x128xf32> to vector<512x128xf32>
    %mul3A_270 = arith.mulf %dot_general3A_263, %get3A_269 : vector<512x128xf32>
    %add3A_271 = arith.addf %add3A_260, %mul3A_270 : vector<512x128xf32>
    %mul3A_272 = arith.mulf %exp3A_190, %div3A_204 : vector<512x4xf32>
    %dot_general3A_273 = arith.constant dense<0.000000e+00> : vector<512x128xf32>
    %dot_general3A_274 = tpu.matmul %mul3A_272, %convert_element_type3A_64, %dot_general3A_273 {dimension_numbers = #tpu.dot_dimension_numbers<[1], [0], [0], [1], [0, 0, 1, 1], [], []>, transpose_lhs_hint = false} : vector<512x4xf32>, vector<4x128xf32>, vector<512x128xf32> -> vector<512x128xf32>
    %get3A_275 = arith.constant 6 : index
    %get3A_276 = arith.constant 0 : index
    %get3A_277 = arith.constant 0 : index
    %get3A_278 = arith.constant 128 : index
    %get3A_279 = vector.load %arg3[%get3A_275, %get3A_276, %get3A_277, %get3A_278] : memref<9x1x512x256xf32, #tpu.memory_space<vmem>>, vector<1x1x512x128xf32>
    %get3A_280 = vector.shape_cast %get3A_279 : vector<1x1x512x128xf32> to vector<512x128xf32>
    %mul3A_281 = arith.mulf %dot_general3A_274, %get3A_280 : vector<512x128xf32>
    %add3A_282 = arith.addf %add3A_271, %mul3A_281 : vector<512x128xf32>
    %mul3A_283 = arith.mulf %exp3A_192, %div3A_204 : vector<512x4xf32>
    %dot_general3A_284 = arith.constant dense<0.000000e+00> : vector<512x128xf32>
    %dot_general3A_285 = tpu.matmul %mul3A_283, %convert_element_type3A_64, %dot_general3A_284 {dimension_numbers = #tpu.dot_dimension_numbers<[1], [0], [0], [1], [0, 0, 1, 1], [], []>, transpose_lhs_hint = false} : vector<512x4xf32>, vector<4x128xf32>, vector<512x128xf32> -> vector<512x128xf32>
    %get3A_286 = arith.constant 7 : index
    %get3A_287 = arith.constant 0 : index
    %get3A_288 = arith.constant 0 : index
    %get3A_289 = arith.constant 128 : index
    %get3A_290 = vector.load %arg3[%get3A_286, %get3A_287, %get3A_288, %get3A_289] : memref<9x1x512x256xf32, #tpu.memory_space<vmem>>, vector<1x1x512x128xf32>
    %get3A_291 = vector.shape_cast %get3A_290 : vector<1x1x512x128xf32> to vector<512x128xf32>
    %mul3A_292 = arith.mulf %dot_general3A_285, %get3A_291 : vector<512x128xf32>
    %add3A_293 = arith.addf %add3A_282, %mul3A_292 : vector<512x128xf32>
    %mul3A_294 = arith.mulf %exp3A_194, %div3A_204 : vector<512x4xf32>
    %dot_general3A_295 = arith.constant dense<0.000000e+00> : vector<512x128xf32>
    %dot_general3A_296 = tpu.matmul %mul3A_294, %convert_element_type3A_64, %dot_general3A_295 {dimension_numbers = #tpu.dot_dimension_numbers<[1], [0], [0], [1], [0, 0, 1, 1], [], []>, transpose_lhs_hint = false} : vector<512x4xf32>, vector<4x128xf32>, vector<512x128xf32> -> vector<512x128xf32>
    %get3A_297 = arith.constant 8 : index
    %get3A_298 = arith.constant 0 : index
    %get3A_299 = arith.constant 0 : index
    %get3A_300 = arith.constant 128 : index
    %get3A_301 = vector.load %arg3[%get3A_297, %get3A_298, %get3A_299, %get3A_300] : memref<9x1x512x256xf32, #tpu.memory_space<vmem>>, vector<1x1x512x128xf32>
    %get3A_302 = vector.shape_cast %get3A_301 : vector<1x1x512x128xf32> to vector<512x128xf32>
    %mul3A_303 = arith.mulf %dot_general3A_296, %get3A_302 : vector<512x128xf32>
    %add3A_304 = arith.addf %add3A_293, %mul3A_303 : vector<512x128xf32>
    %mul3A_305 = arith.constant 5.000000e-01 : f32
    %mul3A_306 = vector.broadcast %mul3A_305 : f32 to vector<512x128xf32>
    %mul3A_307 = arith.mulf %add3A_304, %mul3A_306 : vector<512x128xf32>
    %mul3A_308 = arith.constant 0.707106769 : f32
    %mul3A_309 = vector.broadcast %mul3A_308 : f32 to vector<512x128xf32>
    %mul3A_310 = arith.mulf %add3A_304, %mul3A_309 : vector<512x128xf32>
    %erf3A = math.erf %mul3A_310 : vector<512x128xf32>
    %add3A_311 = arith.constant 1.000000e+00 : f32
    %add3A_312 = vector.broadcast %add3A_311 : f32 to vector<512x128xf32>
    %add3A_313 = arith.addf %add3A_312, %erf3A : vector<512x128xf32>
    %mul3A_314 = arith.mulf %mul3A_307, %add3A_313 : vector<512x128xf32>
    %get3A_315 = arith.constant 0 : index
    %get3A_316 = arith.constant 0 : index
    %get3A_317 = vector.load %arg5[%get3A_315, %get3A_316] : memref<128x128xf32, #tpu.memory_space<vmem>>, vector<128x128xf32>
    %dot_general3A_318 = arith.constant dense<0.000000e+00> : vector<512x128xf32>
    %dot_general3A_319 = tpu.matmul %mul3A_314, %get3A_317, %dot_general3A_318 {dimension_numbers = #tpu.dot_dimension_numbers<[1], [0], [0], [1], [0, 0, 1, 1], [], []>, transpose_lhs_hint = false} : vector<512x128xf32>, vector<128x128xf32>, vector<512x128xf32> -> vector<512x128xf32>
    %get3A_320 = arith.constant 0 : index
    %get3A_321 = arith.constant 0 : index
    %get3A_322 = arith.constant 0 : index
    %get3A_323 = vector.load %arg4[%get3A_320, %get3A_321, %get3A_322] : memref<1x512x128xf32, #tpu.memory_space<vmem>>, vector<1x512x128xf32>
    %get3A_324 = vector.shape_cast %get3A_323 : vector<1x512x128xf32> to vector<512x128xf32>
    %add3A_325 = arith.addf %get3A_324, %dot_general3A_319 : vector<512x128xf32>
    %get3A_326 = arith.constant 0 : index
    %get3A_327 = arith.constant 0 : index
    %get3A_328 = vector.load %arg6[%get3A_326, %get3A_327] : memref<1x128xf32, #tpu.memory_space<vmem>>, vector<1x128xf32>
    %add3A_329 = vector.broadcast %get3A_328 : vector<1x128xf32> to vector<512x128xf32>
    %add3A_330 = arith.addf %add3A_325, %add3A_329 : vector<512x128xf32>
    %swap3A = arith.constant 0 : index
    %swap3A_331 = arith.constant 0 : index
    %swap3A_332 = arith.constant 0 : index
    %swap3A_333 = vector.load %arg7[%swap3A, %swap3A_331, %swap3A_332] : memref<1x512x128xf32, #tpu.memory_space<vmem>>, vector<1x512x128xf32>
    %swap3A_334 = vector.shape_cast %swap3A_333 : vector<1x512x128xf32> to vector<512x128xf32>
    %swap3A_335 = vector.shape_cast %add3A_330 : vector<512x128xf32> to vector<1x512x128xf32>
    tpu.vector_store %arg7[%swap3A, %swap3A_331, %swap3A_332], %swap3A_335 {strides = array<i32>} : memref<1x512x128xf32, #tpu.memory_space<vmem>>, vector<1x512x128xf32>,
    return
  }
  func.func @transform_0(%arg0: i32, %arg1: i32) -> (i32, i32, i32) {
    %c0_i32 = arith.constant 0 : i32
    %c0_i32_0 = arith.constant 0 : i32
    return %arg0, %arg1, %c0_i32 : i32, i32, i32
  }
  func.func @transform_1(%arg0: i32, %arg1: i32) -> (i32, i32, i32, i32) {
    %c0_i32 = arith.constant 0 : i32
    %c0_i32_0 = arith.constant 0 : i32
    %c0_i32_1 = arith.constant 0 : i32
    return %c0_i32, %arg0, %arg1, %c0_i32_0 : i32, i32, i32, i32
  }
  func.func @transform_2(%arg0: i32, %arg1: i32) -> (i32, i32, i32) {
    %c0_i32 = arith.constant 0 : i32
    %c0_i32_0 = arith.constant 0 : i32
    return %arg0, %arg1, %c0_i32 : i32, i32, i32
  }
  func.func @transform_3(%arg0: i32, %arg1: i32) -> (i32, i32) {
    %c0_i32 = arith.constant 0 : i32
    %c0_i32_0 = arith.constant 0 : i32
    %c0_i32_1 = arith.constant 0 : i32
    return %c0_i32, %c0_i32_0 : i32, i32
  }
  func.func @transform_4(%arg0: i32, %arg1: i32) -> (i32, i32) {
    %c0_i32 = arith.constant 0 : i32
    %c0_i32_0 = arith.constant 0 : i32
    %c0_i32_1 = arith.constant 0 : i32
    return %c0_i32, %c0_i32_0 : i32, i32
  }
  func.func @transform_5(%arg0: i32, %arg1: i32) -> (i32, i32, i32) {
    %c0_i32 = arith.constant 0 : i32
    %c0_i32_0 = arith.constant 0 : i32
    return %arg0, %arg1, %c0_i32 : i32, i32, i32
  }
}

</mosaic_0001>

<sc_bundles>
// kernel: kernel.14.cloned.1.call-start
scs
__scs_entry_jumppad:
0x0: {  	(pc) =	sbr.rel $0x88, $3  }
0x1: {  	(tag) =	ssettag $0x0;
	lr =	simm.s32 $0x1  }
0x2: {  	[smem:$0x3F9C] =	sst lr;
	_ =	strace $0xD0000000  }
0x3: {  	_ = 	snop  }
0x4: {  	_ = 	snop  }
0x5: {  	_ = 	snop  }
0x6: {  	_ = 	snop  }
0x7: {  	_ = 	snop  }
__scs_overlays_trampoline_lowered:
0x8: {  	[smem:$0x3FAB] =	sst s0  }
0x9: {  	[smem:$0x3FAC] =	sst s1  }
0xa: {  	[smem:$0x3FAD] =	sst s2  }
0xb: {  	[smem:$0x3FAE] =	sst s3  }
0xc: {  	[smem:$0x3FAF] =	sst s4  }
0xd: {  	[smem:$0x3FB0] =	sst s5  }
0xe: {  	[smem:$0x3FB1] =	sst s6  }
0xf: {  	[smem:$0x3FB2] =	sst s7  }
0x10: {  	[smem:$0x3FB3] =	sst s8  }
0x11: {  	[smem:$0x3FB4] =	sst s9;
	s0 =	simm.s32 @!p0 $0x0  }
0x12: {  	s1 =	sld [smem:$0x3F9A];
	s0 =	simm.s32 @p0 $0x1  }
0x13: {  	[smem:$0x3FB5] =	sst s0;
	s0 =	simm.s32 @!p1 $0x0  }
0x14: {  	s2 =	sld [smem:$0x3F99];
	s0 =	simm.s32 @p1 $0x1  }
0x15: {  	[smem:$0x3FB6] =	sst s0;
	s0 =	simm.s32 @!p2 $0x0  }
0x16: {  	s3 =	sld [smem:$0x3FDB];
	s0 =	simm.s32 @p2 $0x1  }
0x17: {  	s4 =	simm.s32 $0x1BF5;
	[smem:$0x3FB8] =	sst s0  }
0x18: {  	s0 =	sld [smem:$0x3F9B];
	_ =	swait.ge [sflag:s4], $0x0  }
0x19: {  	s7 =	sld [smem:$0x3F9C]  }
0x1a: {  	s8 =	sadd.s32 $0xFFFFE003, lr  }
0x1b: {  	s9 =	sadd.s32 $0xFFFFFEF7, lr;
	s5 =	simm.s32 $0xFFFFFFFF;
	p2 =	slt.u32 s8, $0xFFFFF086  }
0x1c: {  	p1 =	slt.u32 s9, $0xF7A;
	s5 =	simm.s32 @!p2 $0x0  }
0x1d: {  	s5 =	simm.s32 @p1 $0x1;
	p0 =	seq.s32 s7, s2  }
0x1e: {  	s7 =	smul.u32 @!p0 $0xF7A, s2;
	p2 =	seq.s32 @!p0 s5, $0x0  }
0x1f: {  	s9 =	smul.u32 $0xF7A, s1;
	s8 =	simm.s32 @!p0 $0x1BF5;
	p2 =	por !p2, p0  }
0x20: {  	[sflag:s8] =	ssyncset.s32 @!p0 $0xFFFFF086;
	s6 =	sadd.s32 @!p0 s3, s7;
	s7 =	simm.s32 @!p0 $0x108  }
0x21: {  	s3 =	sadd.s32 s3, s9;
	s6 =	sadd.s32 @!p0 $0x88, s6;
	s7 =	simm.s32 @p2 $0x1082  }
0x22: {  	[simem:s7], [sflag:s8] =	dma.local @!p0 [hbm:s6], $0xF7A  }
0x23: {  	s9 =	sor.u32 $0xD0000000, s2;
	s6 =	simm.s32 $0x108;
	_ =	swait.ge @!p0 [sflag:s8], $0x0  }
0x24: {  	s3 =	sadd.s32 $0x88, s3;
	s6 =	simm.s32 @!p1 $0x1082;
	[sflag:s4] =	ssyncset.s32 $0xFFFFF086  }
0x25: {  	[simem:s6], [sflag:s4] =	dma.local [hbm:s3], $0xF7A  }
0x26: {  	[smem:$0x3F9C] =	sst s1;
	(tag) =	ssettag s2;
	_ =	strace s9  }
0x27: {  	s1 =	sld [smem:$0x3FAC]  }
0x28: {  	s2 =	sld [smem:$0x3FAD]  }
0x29: {  	s4 =	sld [smem:$0x3FAF]  }
0x2a: {  	p0 =	seq.s32 s5, $0x0;
	s5 =	sld [smem:$0x3FB0]  }
0x2b: {  	s6 =	sld [smem:$0x3FB1]  }
0x2c: {  	s7 =	sld [smem:$0x3FB2]  }
0x2d: {  	s3 =	simm.s32 $0x108;
	s8 =	sld [smem:$0x3FB3]  }
0x2e: {  	s3 =	simm.s32 @!p0 $0x1082;
	s9 =	sld [smem:$0x3FB4]  }
0x2f: {  	lr =	sadd.s32 s0, s3;
	s0 =	sld [smem:$0x3FAB]  }
0x30: {  	s3 =	sld [smem:$0x3FAE]  }
0x31: {  	[smem:$0x3FB7] =	sst s10  }
0x32: {  	s10 =	sld [smem:$0x3FB5];
	_ =	sdelay $0x3  }
0x33: {  	p0 =	seq.s32 s10, $0x1;
	s10 =	sld [smem:$0x3FB7];
	_ =	sdelay $0x3  }
0x34: {  	[smem:$0x3FB7] =	sst s10  }
0x35: {  	s10 =	sld [smem:$0x3FB6];
	_ =	sdelay $0x3  }
0x36: {  	p1 =	seq.s32 s10, $0x1;
	s10 =	sld [smem:$0x3FB7];
	_ =	sdelay $0x3  }
0x37: {  	[smem:$0x3FB7] =	sst s10  }
0x38: {  	s10 =	sld [smem:$0x3FB8]  }
0x39: {  	_ = 	snop;
	(pc) =	sbr.ind lr, $3  }
0x3a: {  	_ = 	snop  }
0x3b: {  	_ = 	snop  }
0x3c: {  	p2 =	seq.s32 s10, $0x1;
	s10 =	sld [smem:$0x3FB7]  }
0x3d: {  	_ =	shalt  }
0x3e: {  	_ =	shalt  }
0x3f: {  	_ =	shalt  }
0x40: {  	_ =	shalt  }
0x41: {  	_ =	shalt  }
0x42: {  	_ =	shalt  }
0x43: {  	_ =	shalt  }
0x44: {  	_ =	shalt  }
0x45: {  	_ =	shalt  }
0x46: {  	_ =	shalt  }
0x47: {  	_ =	shalt  }
0x48: {  	_ =	shalt  }
0x49: {  	_ =	shalt  }
0x4a: {  	_ =	shalt  }
0x4b: {  	_ =	shalt  }
0x4c: {  	_ =	shalt  }
0x4d: {  	_ =	shalt  }
0x4e: {  	_ =	shalt  }
0x4f: {  	_ =	shalt  }
0x50: {  	_ =	shalt  }
0x51: {  	_ =	shalt  }
0x52: {  	_ =	shalt  }
0x53: {  	_ =	shalt  }
0x54: {  	_ =	shalt  }
0x55: {  	_ =	shalt  }
0x56: {  	_ =	shalt  }
0x57: {  	_ =	shalt  }
0x58: {  	_ =	shalt  }
0x59: {  	_ =	shalt  }
0x5a: {  	_ =	shalt  }
0x5b: {  	_ =	shalt  }
0x5c: {  	_ =	shalt  }
0x5d: {  	_ =	shalt  }
0x5e: {  	_ =	shalt  }
0x5f: {  	_ =	shalt  }
0x60: {  	_ =	shalt  }
0x61: {  	_ =	shalt  }
0x62: {  	_ =	shalt  }
0x63: {  	_ =	shalt  }
0x64: {  	_ =	shalt  }
0x65: {  	_ =	shalt  }
0x66: {  	_ =	shalt  }
0x67: {  	_ =	shalt  }
0x68: {  	_ =	shalt  }
0x69: {  	_ =	shalt  }
0x6a: {  	_ =	shalt  }
0x6b: {  	_ =	shalt  }
0x6c: {  	_ =	shalt  }
0x6d: {  	_ =	shalt  }
0x6e: {  	_ =	shalt  }
0x6f: {  	_ =	shalt  }
0x70: {  	_ =	shalt  }
0x71: {  	_ =	shalt  }
0x72: {  	_ =	shalt  }
0x73: {  	_ =	shalt  }
0x74: {  	_ =	shalt  }
0x75: {  	_ =	shalt  }
0x76: {  	_ =	shalt  }
0x77: {  	_ =	shalt  }
0x78: {  	_ =	shalt  }
0x79: {  	_ =	shalt  }
0x7a: {  	_ =	shalt  }
0x7b: {  	_ =	shalt  }
0x7c: {  	_ =	shalt  }
0x7d: {  	_ =	shalt  }
0x7e: {  	_ =	shalt  }
0x7f: {  	_ =	shalt  }
0x80: {  	_ =	shalt  }
0x81: {  	_ =	shalt  }
0x82: {  	_ =	shalt  }
0x83: {  	_ =	shalt  }
0x84: {  	_ =	shalt  }
0x85: {  	_ =	shalt  }
0x86: {  	_ =	shalt  }
0x87: {  	_ =	shalt  }
.Lfunc_end0:
.L_simem_size_0:
called_computation_lowered:
.L_overlay_start_0:
0x88: {  	s2 =	sld [smem:$0x3FD9]  }
0x89: {  	s3 =	sld [smem:$0x3FFE];
	_ =	sdelay $0x1  }
0x8a: {  	s1 =	srdreg.scid  }
0x8b: {  	s0 =	sand.u32 $0x1, s1  }
0x8c: {  	s17 =	sshll.u32 s0, $0xA;
	s2 =	sadd.s32 s3, s2  }
0x8d: {  	s2 =	sadd.s32 s2, s17  }
0x8e: {  	[smem:$0x3FC3] =	sst s2  }
0x8f: {  	_ = 	snop  }
0x90: {  	(tm) =	ssettm $0x1  }
0x91: {  	s18 =	sld [smem:$0x3FFB];
	_ =	sdelay $0x3  }
0x92: {  	_ =	strace s18  }
0x93: {  	s2 =	sld [smem:$0x3FFC];
	_ =	sdelay $0x3  }
0x94: {  	_ =	strace s2  }
0x95: {  	s2 =	sld [smem:$0x3FFD];
	_ =	sdelay $0x3  }
0x96: {  	_ =	strace s2  }
0x97: {  	_ =	strace $0x8FFFFFFF  }
0x98: {  	s19 =	sld [smem:$0x3FDB];
	_ =	sdelay $0x1  }
0x99: {  	s20 =	simm.s32 $_scs_section_size  }
0x9a: {  	s4 =	simm.s32 $_size__tile_overlayer_lowered;
	s5 =	simm.s32 $_tile_overlayer_lowered  }
0x9b: {  	s6 =	simm.s32 $0x1BFF;
	s21 =	sshll.u32 s5, $0x1;
	s3 =	sadd.s32 s20, s19  }
0x9c: {  	s22 =	simm.s32 $0x0;
	s4 =	sshll.u32 s4, $0x1;
	s5 =	sadd.s32 s21, s3  }
0x9d: {  	[timem:s22], [sflag:s6] =	dma.local [hbm:s5], s4  }
0x9e: {  	_ =	swait.ge [sflag:s6], s4  }
0x9f: {  	s4 =	ssub.s32 $0x0, s4;
	[sflag:s6] =	ssyncset.done $0x0  }
0xa0: {  	[sflag:s6] =	ssyncadd.s32 s4;
	_ =	sdelay $0x1  }
0xa1: {  	s23 =	simm.s32 $0x1B8B  }
0xa2: {  	_ =	swait.ge [sflag:s23], $0x1  }
0xa3: {  	[sflag:s23] =	ssyncset.done $0x0  }
0xa4: {  	[sflag:s23] =	ssyncadd.s32 $0xFFFFFFFF  }
0xa5: {  	s4 =	sld [smem:$0x0]  }
0xa6: {  	s5 =	sand.u32 $0xFFFFFFFE, s1  }
0xa7: {  	p0 =	sne.s32 s1, s5  }
0xa8: {  	s5 =	sshll.u32 @p0 s5, $0xE  }
0xa9: {  	s5 =	sadd.s32 @p0 $0x11B8D, s5;
	s6 =	sshll.u32 @p0 s4, $0x11  }
0xaa: {  	s5 =	sor.u32 @p0 s6, s5  }
0xab: {  	[sflag:s5] =	ssyncadd.remote.s32 @p0 $0x1;
	_ =	sdelay $0x1  }
0xac: {  	s5 =	simm.s32 @p0 $0x1B8D  }
0xad: {  	_ =	swait.eq @p0 [sflag:s5], $0x1  }
0xae: {  	[sflag:s5] =	ssyncadd.s32 @p0 $0xFFFFFFFF  }
0xaf: {  	s6 =	sshll.u32 @!p0 s1, $0xE  }
0xb0: {  	s6 =	sor.u32 @!p0 $0x4000, s6;
	s5 =	simm.s32 @!p0 $0x1B8D  }
0xb1: {  	s4 =	sshll.u32 @!p0 s4, $0x11;
	s6 =	sadd.s32 @!p0 $0x11B8D, s6;
	_ =	swait.eq @!p0 [sflag:s5], $0x1  }
0xb2: {  	s4 =	sor.u32 @!p0 s4, s6;
	[sflag:s5] =	ssyncadd.s32 @!p0 $0xFFFFFFFF  }
0xb3: {  	s25 =	simm.s32 $0x1B8E;
	s24 =	sld [smem:$0x3FFE];
	[sflag:s4] =	ssyncadd.remote.s32 @!p0 $0x1  }
0xb4: {  	s26 =	simm.s32 $execute0_lowered;
	[smem:$0x3FD2] =	sst s25  }
0xb5: {  	s5 =	sshll.u32 s26, $0x1;
	_ =	strace $0x8000004F;
	[dreg:$0x1] =	wrdreg $0xFFFFFFFF  }
0xb6: {  	s28 =	simm.s32 $_size_execute0_lowered;
	s3 =	sadd.s32 s3, s5;
	[dreg:$0x0] =	wrdreg $0x0  }
0xb7: {  	s5 =	sshll.u32 s28, $0x1;
	[dreg:$0x2] =	wrdreg s3  }
0xb8: {  	[dreg:$0x3] =	wrdreg s5  }
0xb9: {  	[dreg:$0x4] =	wrdreg $0xC0  }
0xba: {  	_ =	task [dreg:s22], $0x5FFFF  }
0xbb: {  	[dreg:$0x1] =	wrdreg $0xFFFFFFFF  }
0xbc: {  	[dreg:$0x0] =	wrdreg $0x60  }
0xbd: {  	[dreg:$0x2] =	wrdreg s24  }
0xbe: {  	[dreg:$0x3] =	wrdreg $0x9  }
0xbf: {  	_ =	task.clear_ibuf [dreg:s22], $0x4FFFF;
	_ =	strace $0x9000004F  }
0xc0: {  	s29 =	simm.s32 $0x9;
	_ =	strace $0x80000051  }
0xc1: {  	_ =	swait.ge [sflag:s29], $0x1  }
0xc2: {  	[sflag:s29] =	ssyncadd.s32 $0xFFFFFFFF  }
0xc3: {  	_ =	strace $0x90000051  }
0xc4: {  	_ =	sfence  }
0xc5: {  	s30 =	sld [smem:$0x0];
	_ =	sdelay $0x2  }
0xc6: {  	s31 =	sshll.u32 s1, $0xD;
	s1 =	sshrl.u32 s1, $0x2  }
0xc7: {  	s4 =	sand.u32 $0x4000, s31;
	s1 =	sadd.s32 s1, s30  }
0xc8: {  	s0 =	sor.u32 s4, s0;
	s1 =	sshll.u32 s1, $0x11  }
0xc9: {  	s0 =	sor.u32 s1, s0  }
0xca: {  	s0 =	sadd.s32 $0x8F2B, s0  }
0xcb: {  	[sflag:s0] =	ssyncadd.remote.s32 $0x1  }
0xcc: {  	_ =	sfence.sel $0xFFFF  }
0xcd: {  	[dreg:$0x0] =	wrdreg $0xFFFFFFFF;
	(pc) =	sbr.abs _section_cstart, $3  }
0xce: {  	[dreg:$0x1] =	wrdreg $0xFFFFFFFF  }
0xcf: {  	_ =	task.clear_ibuf [dreg:s22], $0x2FFFF;
	_ =	strace $0x9FFFFFFF  }
0xd0: {  	(tm) =	ssettm $0x7FFFFFFF  }
0xd1: {  	_ =	shalt  }
tec
execute0_lowered:
.L_overlay_start_1:
0x0: {  	(tag) =	ssettag $0x1  }
0x1: {  	s4 =	rddreg [dreg:$0x0]  }
0x2: {  	s0 =	rddreg [dreg:$0x1];
	s2 =	simm.s32 $0x0;
	s3 =	srdreg.scid  }
0x3: {  	s1 =	stileid.u32;
	s10 =	simm.s32 $0x1080;
	s11 =	simm.s32 $0x1880  }
0x4: {  	s12 =	simm.s32 $0x2080;
	s13 =	simm.s32 $0x2880;
	s14 =	simm.s32 $0x3080  }
0x5: {  	s15 =	simm.s32 $0x3880;
	s16 =	simm.s32 $0x4080;
	s17 =	simm.s32 $0x4880  }
0x6: {  	s18 =	simm.s32 $0x5080;
	s19 =	simm.s32 $0x5880;
	s20 =	simm.s32 $0x6080  }
0x7: {  	s21 =	simm.s32 $0x6880;
	s22 =	simm.s32 $0x7080;
	s23 =	simm.s32 $0x7880  }
0x8: {  	s24 =	simm.s32 $0x1;
	s25 =	simm.s32 $0x0;
	s6 =	smul.u32 $0x900, s1  }
0x9: {  	[smem:$0x7FF] =	sst s2;
	s5 =	sand.u32 $0x1, s3;
	s8 =	smul.u32 $0x12000, s1  }
0xa: {  	s3 =	sadd.s32 $0x3E8000, s4;
	s7 =	smul.u32 $0x480, s5;
	s9 =	ssub.s32 $0x2, s5  }
0xb: {  	_ =	strace $0x80000050;
	s5 =	smul.u32 $0x9000, s5;
	s31 =	sshrl.u32 s9, $0x1  }
0xc: {  	s8 =	sadd.s32 s8, s4;
	s6 =	sadd.s32 s7, s6;
	s7 =	ssub.s32 s9, s31  }
0xd: {  	v2 =	vlaneseq.u32;
	s5 =	sadd.s32 s5, s8;
	s8 =	simm.s32 $0x80;
	s6 =	sshrl.u32 s6, $0x3  }
0xe: {  	vm0 =	vmmov $0xffff;
	v1 =	vshrl.u32 v2, $0x3;
	s9 =	simm.s32 $0x880;
	s5 =	sadd.s32 $0x409200, s5;
	s6 =	sadd.s32 s6, s4  }
0xf: {  	v0 =	vand.u32 $0x7, v2;
	v2 =	vor.u32 $0x8, v2;
	v1 =	vmul.u32 $0x8, v1;
	s4 =	smax.u32 s7, $0x1;
	s7 =	simm.s32 $0x2;
	s6 =	sadd.s32 $0x408000, s6  }
.LBB2_1:
0x10: {  	s26 =	smov.u32 s5;
	s28 =	simm.s32 $0x0  }
.LBB2_2:
0x11: {  	s29 =	sadd.s32 s28, s6  }
0x12: {  	[tilespmem:s2], [sflag:$0x2] =	stream.linear.gather [hbm4b:s29+s2], $0x80, $0x38;
	[tilespmem:$0x8080] =	vst v63  }
0x13: {  	_ =	swait.ge [sflag:s7], $0x80  }
0x14: {  	[sflag:s7] =	ssyncset.done $0x0  }
0x15: {  	[sflag:s7] =	ssyncadd.s32 $0xFFFFFF80  }
0x16: {  	v3 =	vld [tilespmem:$0x0];
	_ =	sdelay $0x4  }
0x17: {  	v4 =	vshll.u32 v3, $0x1  }
0x18: {  	v3 =	vand.u32 $0x7, v3;
	v4 =	vand.u32 $0xFFFFFFF0, v4  }
0x19: {  	v3 =	vor.u32 v3, v4  }
0x1a: {  	v4 =	vperm.xlane v3, v0;
	_ =	sdelay $0x1  }
0x1b: {  	v3 =	vperm.xlane v3, v2;
	v4 =	vadd.s32 v1, v4;
	_ =	sdelay $0x1  }
0x1c: {  	v3 =	vadd.s32 v1, v3;
	_ =	sdelay $0x2  }
0x1d: {  	[tilespmem:s8], [sflag:$0x1] =	stream.indirect_vreg.gather [hbm4b:s3+s2], $0x80, v4, vm0, $0xb8;
	[tilespmem:$0x8080] =	vst v63  }
0x1e: {  	_ = 	snop  }
0x1f: {  	[tilespmem:s9], [sflag:$0x1] =	stream.indirect_vreg.gather [hbm4b:s3+s2], $0x80, v3, vm0, $0xb8;
	[tilespmem:$0x8080] =	vst v63  }
0x20: {  	v3 =	vld [tilespmem:$0x10];
	_ =	sdelay $0x4  }
0x21: {  	v57 =	vshll.u32 v3, $0x1  }
0x22: {  	v3 =	vand.u32 $0x7, v3;
	v4 =	vand.u32 $0xFFFFFFF0, v57  }
0x23: {  	v3 =	vor.u32 v3, v4  }
0x24: {  	v4 =	vperm.xlane v3, v0;
	_ =	sdelay $0x1  }
0x25: {  	v3 =	vperm.xlane v3, v2;
	v4 =	vadd.s32 v1, v4;
	_ =	sdelay $0x1  }
0x26: {  	v3 =	vadd.s32 v1, v3;
	_ =	sdelay $0x2  }
0x27: {  	[tilespmem:s10], [sflag:$0x1] =	stream.indirect_vreg.gather [hbm4b:s3+s2], $0x80, v4, vm0, $0xb8;
	[tilespmem:$0x8080] =	vst v63  }
0x28: {  	_ = 	snop  }
0x29: {  	[tilespmem:s11], [sflag:$0x1] =	stream.indirect_vreg.gather [hbm4b:s3+s2], $0x80, v3, vm0, $0xb8;
	[tilespmem:$0x8080] =	vst v63  }
0x2a: {  	v3 =	vld [tilespmem:$0x20];
	_ =	sdelay $0x4  }
0x2b: {  	v58 =	vshll.u32 v3, $0x1  }
0x2c: {  	v3 =	vand.u32 $0x7, v3;
	v4 =	vand.u32 $0xFFFFFFF0, v58  }
0x2d: {  	v3 =	vor.u32 v3, v4  }
0x2e: {  	v4 =	vperm.xlane v3, v0;
	_ =	sdelay $0x1  }
0x2f: {  	v3 =	vperm.xlane v3, v2;
	v4 =	vadd.s32 v1, v4;
	_ =	sdelay $0x1  }
0x30: {  	v3 =	vadd.s32 v1, v3;
	_ =	sdelay $0x2  }
0x31: {  	[tilespmem:s12], [sflag:$0x1] =	stream.indirect_vreg.gather [hbm4b:s3+s2], $0x80, v4, vm0, $0xb8;
	[tilespmem:$0x8080] =	vst v63  }
0x32: {  	_ = 	snop  }
0x33: {  	[tilespmem:s13], [sflag:$0x1] =	stream.indirect_vreg.gather [hbm4b:s3+s2], $0x80, v3, vm0, $0xb8;
	[tilespmem:$0x8080] =	vst v63  }
0x34: {  	v3 =	vld [tilespmem:$0x30];
	_ =	sdelay $0x4  }
0x35: {  	v59 =	vshll.u32 v3, $0x1  }
0x36: {  	v3 =	vand.u32 $0x7, v3;
	v4 =	vand.u32 $0xFFFFFFF0, v59  }
0x37: {  	v3 =	vor.u32 v3, v4  }
0x38: {  	v4 =	vperm.xlane v3, v0;
	_ =	sdelay $0x1  }
0x39: {  	v3 =	vperm.xlane v3, v2;
	v4 =	vadd.s32 v1, v4;
	_ =	sdelay $0x1  }
0x3a: {  	v3 =	vadd.s32 v1, v3;
	_ =	sdelay $0x2  }
0x3b: {  	[tilespmem:s14], [sflag:$0x1] =	stream.indirect_vreg.gather [hbm4b:s3+s2], $0x80, v4, vm0, $0xb8;
	[tilespmem:$0x8080] =	vst v63  }
0x3c: {  	_ = 	snop  }
0x3d: {  	[tilespmem:s15], [sflag:$0x1] =	stream.indirect_vreg.gather [hbm4b:s3+s2], $0x80, v3, vm0, $0xb8;
	[tilespmem:$0x8080] =	vst v63  }
0x3e: {  	v3 =	vld [tilespmem:$0x40];
	_ =	sdelay $0x4  }
0x3f: {  	v60 =	vshll.u32 v3, $0x1  }
0x40: {  	v3 =	vand.u32 $0x7, v3;
	v4 =	vand.u32 $0xFFFFFFF0, v60  }
0x41: {  	v3 =	vor.u32 v3, v4  }
0x42: {  	v4 =	vperm.xlane v3, v0;
	_ =	sdelay $0x1  }
0x43: {  	v3 =	vperm.xlane v3, v2;
	v4 =	vadd.s32 v1, v4;
	_ =	sdelay $0x1  }
0x44: {  	v3 =	vadd.s32 v1, v3;
	_ =	sdelay $0x2  }
0x45: {  	[tilespmem:s16], [sflag:$0x1] =	stream.indirect_vreg.gather [hbm4b:s3+s2], $0x80, v4, vm0, $0xb8;
	[tilespmem:$0x8080] =	vst v63  }
0x46: {  	_ = 	snop  }
0x47: {  	[tilespmem:s17], [sflag:$0x1] =	stream.indirect_vreg.gather [hbm4b:s3+s2], $0x80, v3, vm0, $0xb8;
	[tilespmem:$0x8080] =	vst v63  }
0x48: {  	v3 =	vld [tilespmem:$0x50];
	_ =	sdelay $0x4  }
0x49: {  	v61 =	vshll.u32 v3, $0x1  }
0x4a: {  	v3 =	vand.u32 $0x7, v3;
	v4 =	vand.u32 $0xFFFFFFF0, v61  }
0x4b: {  	v3 =	vor.u32 v3, v4  }
0x4c: {  	v4 =	vperm.xlane v3, v0;
	_ =	sdelay $0x1  }
0x4d: {  	v3 =	vperm.xlane v3, v2;
	v4 =	vadd.s32 v1, v4;
	_ =	sdelay $0x1  }
0x4e: {  	v3 =	vadd.s32 v1, v3;
	_ =	sdelay $0x2  }
0x4f: {  	[tilespmem:s18], [sflag:$0x1] =	stream.indirect_vreg.gather [hbm4b:s3+s2], $0x80, v4, vm0, $0xb8;
	[tilespmem:$0x8080] =	vst v63  }
0x50: {  	_ = 	snop  }
0x51: {  	[tilespmem:s19], [sflag:$0x1] =	stream.indirect_vreg.gather [hbm4b:s3+s2], $0x80, v3, vm0, $0xb8;
	[tilespmem:$0x8080] =	vst v63  }
0x52: {  	v3 =	vld [tilespmem:$0x60];
	_ =	sdelay $0x4  }
0x53: {  	v62 =	vshll.u32 v3, $0x1  }
0x54: {  	v3 =	vand.u32 $0x7, v3;
	v4 =	vand.u32 $0xFFFFFFF0, v62  }
0x55: {  	v3 =	vor.u32 v3, v4  }
0x56: {  	v4 =	vperm.xlane v3, v0;
	_ =	sdelay $0x1  }
0x57: {  	v3 =	vperm.xlane v3, v2;
	v4 =	vadd.s32 v1, v4;
	_ =	sdelay $0x1  }
0x58: {  	v3 =	vadd.s32 v1, v3;
	_ =	sdelay $0x2  }
0x59: {  	[tilespmem:s20], [sflag:$0x1] =	stream.indirect_vreg.gather [hbm4b:s3+s2], $0x80, v4, vm0, $0xb8;
	[tilespmem:$0x8080] =	vst v63  }
0x5a: {  	_ = 	snop  }
0x5b: {  	[tilespmem:s21], [sflag:$0x1] =	stream.indirect_vreg.gather [hbm4b:s3+s2], $0x80, v3, vm0, $0xb8;
	[tilespmem:$0x8080] =	vst v63  }
0x5c: {  	v3 =	vld [tilespmem:$0x70];
	_ =	sdelay $0x4  }
0x5d: {  	v63 =	vshll.u32 v3, $0x1  }
0x5e: {  	v3 =	vand.u32 $0x7, v3;
	v4 =	vand.u32 $0xFFFFFFF0, v63  }
0x5f: {  	v3 =	vor.u32 v3, v4  }
0x60: {  	v4 =	vperm.xlane v3, v0;
	_ =	sdelay $0x1  }
0x61: {  	v3 =	vperm.xlane v3, v2;
	v4 =	vadd.s32 v1, v4;
	_ =	sdelay $0x1  }
0x62: {  	v3 =	vadd.s32 v1, v3;
	_ =	sdelay $0x2  }
0x63: {  	[tilespmem:s22], [sflag:$0x1] =	stream.indirect_vreg.gather [hbm4b:s3+s2], $0x80, v4, vm0, $0xb8;
	[tilespmem:$0x8080] =	vst v63  }
0x64: {  	_ = 	snop  }
0x65: {  	[tilespmem:s23], [sflag:$0x1] =	stream.indirect_vreg.gather [hbm4b:s3+s2], $0x80, v3, vm0, $0xb8;
	[tilespmem:$0x8080] =	vst v63  }
0x66: {  	_ =	swait.ge [sflag:s24], $0x8000  }
0x67: {  	p0 =	sne.s32 s28, $0x80;
	[sflag:s24] =	ssyncset.done $0x0  }
.Ltmp0:
0x68: {  	[sflag:s24] =	ssyncadd.s32 $0xFFFF8000;
	(pc) =	sbr.rel @p0 .LBB2_2-.Ltmp0, $4  }
0x69: {  	[hbm4b:s26+s2] =	stream.linear.scatter [tilespmem:s8], [sflag:$0x2], $0x8000, $0x38;
	[tilespmem:$0x8080] =	vst v63  }
0x6a: {  	_ =	swait.ge [sflag:s7], $0x8000  }
0x6b: {  	[sflag:s7] =	ssyncset.done $0x0  }
0x6c: {  	s28 =	sadd.s32 $0x10, s28;
	s26 =	sadd.s32 $0x1000, s26;
	[sflag:s7] =	ssyncadd.s32 $0xFFFF8000  }
0x6d: {  	s25 =	sadd.s32 $0x1, s25  }
0x6e: {  	p0 =	sne.s32 s25, s4  }
.Ltmp1:
0x6f: {  	_ = 	snop;
	(pc) =	sbr.rel @p0 .LBB2_1-.Ltmp1, $1  }
0x70: {  	_ =	sdelay $0x3  }
0x71: {  	_ =	sfence.sel $0x180000  }
0x72: {  	[bflag:$0x0] =	sbarrier.arrive $0xFFFF  }
0x73: {  	p0 =	sne.s32 s1, $0x0;
	_ =	strace $0x90000050  }
0x74: {  	s0 =	sadd.s32 @!p0 $0x100000, s0;
	[bflag:$0x2] =	sbarrier.arrive $0xFFFF  }
0x75: {  	[sflag:s0] =	ssyncadd.tile.s32 @!p0 $0x1;
	_ =	shalt  }
.Lfunc_end2:
_tile_overlayer_lowered:
.L_overlay_start_2:
0x76: {  	(tag) =	ssettag $0x2  }
0x77: {  	s0 =	rddreg [dreg:$0x0];
	s2 =	stileid.u32  }
0x78: {  	s1 =	rddreg [dreg:$0x1];
	p0 =	sne.s32 s2, $0x0  }
0x79: {  	s3 =	rddreg [dreg:$0x2];
	[bflag:$0x3] =	sbarrier.arrive $0xFFFF;
	s2 =	simm.s32 @!p0 $0x1C02  }
0x7a: {  	[timem:s3], [sflag:s2] =	dma.local @!p0 [hbm:s0], s1  }
0x7b: {  	s0 =	simm.s32 @!p0 $0x2  }
0x7c: {  	_ =	swait.ge @!p0 [sflag:s0], s1  }
0x7d: {  	s1 =	ssub.s32 @!p0 $0x0, s1;
	[sflag:s0] =	ssyncset.done @!p0 $0x0  }
0x7e: {  	[sflag:s0] =	ssyncadd.s32 @!p0 s1  }
0x7f: {  	[bflag:$0x3] =	sbarrier.arrive $0xFFFF  }
0x80: {  	_ =	shalt  }

// kernel: kernel.17.cloned.1.call-start
scs
__scs_entry_jumppad:
0x0: {  	(pc) =	sbr.rel $0x88, $3  }
0x1: {  	(tag) =	ssettag $0x0;
	lr =	simm.s32 $0x1  }
0x2: {  	[smem:$0x3F9C] =	sst lr;
	_ =	strace $0xD0000000  }
0x3: {  	_ = 	snop  }
0x4: {  	_ = 	snop  }
0x5: {  	_ = 	snop  }
0x6: {  	_ = 	snop  }
0x7: {  	_ = 	snop  }
__scs_overlays_trampoline_lowered:
0x8: {  	[smem:$0x3FAB] =	sst s0  }
0x9: {  	[smem:$0x3FAC] =	sst s1  }
0xa: {  	[smem:$0x3FAD] =	sst s2  }
0xb: {  	[smem:$0x3FAE] =	sst s3  }
0xc: {  	[smem:$0x3FAF] =	sst s4  }
0xd: {  	[smem:$0x3FB0] =	sst s5  }
0xe: {  	[smem:$0x3FB1] =	sst s6  }
0xf: {  	[smem:$0x3FB2] =	sst s7  }
0x10: {  	[smem:$0x3FB3] =	sst s8  }
0x11: {  	[smem:$0x3FB4] =	sst s9;
	s0 =	simm.s32 @!p0 $0x0  }
0x12: {  	s1 =	sld [smem:$0x3F9A];
	s0 =	simm.s32 @p0 $0x1  }
0x13: {  	[smem:$0x3FB5] =	sst s0;
	s0 =	simm.s32 @!p1 $0x0  }
0x14: {  	s2 =	sld [smem:$0x3F99];
	s0 =	simm.s32 @p1 $0x1  }
0x15: {  	[smem:$0x3FB6] =	sst s0;
	s0 =	simm.s32 @!p2 $0x0  }
0x16: {  	s3 =	sld [smem:$0x3FDB];
	s0 =	simm.s32 @p2 $0x1  }
0x17: {  	s4 =	simm.s32 $0x1BF5;
	[smem:$0x3FB8] =	sst s0  }
0x18: {  	s0 =	sld [smem:$0x3F9B];
	_ =	swait.ge [sflag:s4], $0x0  }
0x19: {  	s7 =	sld [smem:$0x3F9C]  }
0x1a: {  	s8 =	sadd.s32 $0xFFFFE003, lr  }
0x1b: {  	s9 =	sadd.s32 $0xFFFFFEF7, lr;
	s5 =	simm.s32 $0xFFFFFFFF;
	p2 =	slt.u32 s8, $0xFFFFF086  }
0x1c: {  	p1 =	slt.u32 s9, $0xF7A;
	s5 =	simm.s32 @!p2 $0x0  }
0x1d: {  	s5 =	simm.s32 @p1 $0x1;
	p0 =	seq.s32 s7, s2  }
0x1e: {  	s7 =	smul.u32 @!p0 $0xF7A, s2;
	p2 =	seq.s32 @!p0 s5, $0x0  }
0x1f: {  	s9 =	smul.u32 $0xF7A, s1;
	s8 =	simm.s32 @!p0 $0x1BF5;
	p2 =	por !p2, p0  }
0x20: {  	[sflag:s8] =	ssyncset.s32 @!p0 $0xFFFFF086;
	s6 =	sadd.s32 @!p0 s3, s7;
	s7 =	simm.s32 @!p0 $0x108  }
0x21: {  	s3 =	sadd.s32 s3, s9;
	s6 =	sadd.s32 @!p0 $0x88, s6;
	s7 =	simm.s32 @p2 $0x1082  }
0x22: {  	[simem:s7], [sflag:s8] =	dma.local @!p0 [hbm:s6], $0xF7A  }
0x23: {  	s9 =	sor.u32 $0xD0000000, s2;
	s6 =	simm.s32 $0x108;
	_ =	swait.ge @!p0 [sflag:s8], $0x0  }
0x24: {  	s3 =	sadd.s32 $0x88, s3;
	s6 =	simm.s32 @!p1 $0x1082;
	[sflag:s4] =	ssyncset.s32 $0xFFFFF086  }
0x25: {  	[simem:s6], [sflag:s4] =	dma.local [hbm:s3], $0xF7A  }
0x26: {  	[smem:$0x3F9C] =	sst s1;
	(tag) =	ssettag s2;
	_ =	strace s9  }
0x27: {  	s1 =	sld [smem:$0x3FAC]  }
0x28: {  	s2 =	sld [smem:$0x3FAD]  }
0x29: {  	s4 =	sld [smem:$0x3FAF]  }
0x2a: {  	p0 =	seq.s32 s5, $0x0;
	s5 =	sld [smem:$0x3FB0]  }
0x2b: {  	s6 =	sld [smem:$0x3FB1]  }
0x2c: {  	s7 =	sld [smem:$0x3FB2]  }
0x2d: {  	s3 =	simm.s32 $0x108;
	s8 =	sld [smem:$0x3FB3]  }
0x2e: {  	s3 =	simm.s32 @!p0 $0x1082;
	s9 =	sld [smem:$0x3FB4]  }
0x2f: {  	lr =	sadd.s32 s0, s3;
	s0 =	sld [smem:$0x3FAB]  }
0x30: {  	s3 =	sld [smem:$0x3FAE]  }
0x31: {  	[smem:$0x3FB7] =	sst s10  }
0x32: {  	s10 =	sld [smem:$0x3FB5];
	_ =	sdelay $0x3  }
0x33: {  	p0 =	seq.s32 s10, $0x1;
	s10 =	sld [smem:$0x3FB7];
	_ =	sdelay $0x3  }
0x34: {  	[smem:$0x3FB7] =	sst s10  }
0x35: {  	s10 =	sld [smem:$0x3FB6];
	_ =	sdelay $0x3  }
0x36: {  	p1 =	seq.s32 s10, $0x1;
	s10 =	sld [smem:$0x3FB7];
	_ =	sdelay $0x3  }
0x37: {  	[smem:$0x3FB7] =	sst s10  }
0x38: {  	s10 =	sld [smem:$0x3FB8]  }
0x39: {  	_ = 	snop;
	(pc) =	sbr.ind lr, $3  }
0x3a: {  	_ = 	snop  }
0x3b: {  	_ = 	snop  }
0x3c: {  	p2 =	seq.s32 s10, $0x1;
	s10 =	sld [smem:$0x3FB7]  }
0x3d: {  	_ =	shalt  }
0x3e: {  	_ =	shalt  }
0x3f: {  	_ =	shalt  }
0x40: {  	_ =	shalt  }
0x41: {  	_ =	shalt  }
0x42: {  	_ =	shalt  }
0x43: {  	_ =	shalt  }
0x44: {  	_ =	shalt  }
0x45: {  	_ =	shalt  }
0x46: {  	_ =	shalt  }
0x47: {  	_ =	shalt  }
0x48: {  	_ =	shalt  }
0x49: {  	_ =	shalt  }
0x4a: {  	_ =	shalt  }
0x4b: {  	_ =	shalt  }
0x4c: {  	_ =	shalt  }
0x4d: {  	_ =	shalt  }
0x4e: {  	_ =	shalt  }
0x4f: {  	_ =	shalt  }
0x50: {  	_ =	shalt  }
0x51: {  	_ =	shalt  }
0x52: {  	_ =	shalt  }
0x53: {  	_ =	shalt  }
0x54: {  	_ =	shalt  }
0x55: {  	_ =	shalt  }
0x56: {  	_ =	shalt  }
0x57: {  	_ =	shalt  }
0x58: {  	_ =	shalt  }
0x59: {  	_ =	shalt  }
0x5a: {  	_ =	shalt  }
0x5b: {  	_ =	shalt  }
0x5c: {  	_ =	shalt  }
0x5d: {  	_ =	shalt  }
0x5e: {  	_ =	shalt  }
0x5f: {  	_ =	shalt  }
0x60: {  	_ =	shalt  }
0x61: {  	_ =	shalt  }
0x62: {  	_ =	shalt  }
0x63: {  	_ =	shalt  }
0x64: {  	_ =	shalt  }
0x65: {  	_ =	shalt  }
0x66: {  	_ =	shalt  }
0x67: {  	_ =	shalt  }
0x68: {  	_ =	shalt  }
0x69: {  	_ =	shalt  }
0x6a: {  	_ =	shalt  }
0x6b: {  	_ =	shalt  }
0x6c: {  	_ =	shalt  }
0x6d: {  	_ =	shalt  }
0x6e: {  	_ =	shalt  }
0x6f: {  	_ =	shalt  }
0x70: {  	_ =	shalt  }
0x71: {  	_ =	shalt  }
0x72: {  	_ =	shalt  }
0x73: {  	_ =	shalt  }
0x74: {  	_ =	shalt  }
0x75: {  	_ =	shalt  }
0x76: {  	_ =	shalt  }
0x77: {  	_ =	shalt  }
0x78: {  	_ =	shalt  }
0x79: {  	_ =	shalt  }
0x7a: {  	_ =	shalt  }
0x7b: {  	_ =	shalt  }
0x7c: {  	_ =	shalt  }
0x7d: {  	_ =	shalt  }
0x7e: {  	_ =	shalt  }
0x7f: {  	_ =	shalt  }
0x80: {  	_ =	shalt  }
0x81: {  	_ =	shalt  }
0x82: {  	_ =	shalt  }
0x83: {  	_ =	shalt  }
0x84: {  	_ =	shalt  }
0x85: {  	_ =	shalt  }
0x86: {  	_ =	shalt  }
0x87: {  	_ =	shalt  }
.Lfunc_end0:
.L_simem_size_0:
called_computation.1_lowered:
.L_overlay_start_0:
0x88: {  	s2 =	sld [smem:$0x3FD9]  }
0x89: {  	s3 =	sld [smem:$0x3FFE];
	_ =	sdelay $0x1  }
0x8a: {  	s1 =	srdreg.scid  }
0x8b: {  	s0 =	sand.u32 $0x1, s1  }
0x8c: {  	s17 =	sshll.u32 s0, $0xA;
	s2 =	sadd.s32 s3, s2  }
0x8d: {  	s2 =	sadd.s32 s2, s17  }
0x8e: {  	[smem:$0x3FC3] =	sst s2  }
0x8f: {  	_ = 	snop  }
0x90: {  	(tm) =	ssettm $0x1  }
0x91: {  	s18 =	sld [smem:$0x3FFB];
	_ =	sdelay $0x3  }
0x92: {  	_ =	strace s18  }
0x93: {  	s2 =	sld [smem:$0x3FFC];
	_ =	sdelay $0x3  }
0x94: {  	_ =	strace s2  }
0x95: {  	s2 =	sld [smem:$0x3FFD];
	_ =	sdelay $0x3  }
0x96: {  	_ =	strace s2  }
0x97: {  	_ =	strace $0x8FFFFFFF  }
0x98: {  	s19 =	sld [smem:$0x3FDB];
	_ =	sdelay $0x1  }
0x99: {  	s20 =	simm.s32 $_scs_section_size  }
0x9a: {  	s4 =	simm.s32 $_size__tile_overlayer_lowered;
	s5 =	simm.s32 $_tile_overlayer_lowered  }
0x9b: {  	s6 =	simm.s32 $0x1BFF;
	s21 =	sshll.u32 s5, $0x1;
	s3 =	sadd.s32 s20, s19  }
0x9c: {  	s22 =	simm.s32 $0x0;
	s4 =	sshll.u32 s4, $0x1;
	s5 =	sadd.s32 s21, s3  }
0x9d: {  	[timem:s22], [sflag:s6] =	dma.local [hbm:s5], s4  }
0x9e: {  	_ =	swait.ge [sflag:s6], s4  }
0x9f: {  	s4 =	ssub.s32 $0x0, s4;
	[sflag:s6] =	ssyncset.done $0x0  }
0xa0: {  	[sflag:s6] =	ssyncadd.s32 s4;
	_ =	sdelay $0x1  }
0xa1: {  	s23 =	simm.s32 $0x1B8B  }
0xa2: {  	_ =	swait.ge [sflag:s23], $0x1  }
0xa3: {  	[sflag:s23] =	ssyncset.done $0x0  }
0xa4: {  	[sflag:s23] =	ssyncadd.s32 $0xFFFFFFFF  }
0xa5: {  	s4 =	sld [smem:$0x0]  }
0xa6: {  	s5 =	sand.u32 $0xFFFFFFFE, s1  }
0xa7: {  	p0 =	sne.s32 s1, s5  }
0xa8: {  	s5 =	sshll.u32 @p0 s5, $0xE  }
0xa9: {  	s5 =	sadd.s32 @p0 $0x11B8D, s5;
	s6 =	sshll.u32 @p0 s4, $0x11  }
0xaa: {  	s5 =	sor.u32 @p0 s6, s5  }
0xab: {  	[sflag:s5] =	ssyncadd.remote.s32 @p0 $0x1;
	_ =	sdelay $0x1  }
0xac: {  	s5 =	simm.s32 @p0 $0x1B8D  }
0xad: {  	_ =	swait.eq @p0 [sflag:s5], $0x1  }
0xae: {  	[sflag:s5] =	ssyncadd.s32 @p0 $0xFFFFFFFF  }
0xaf: {  	s6 =	sshll.u32 @!p0 s1, $0xE  }
0xb0: {  	s6 =	sor.u32 @!p0 $0x4000, s6;
	s5 =	simm.s32 @!p0 $0x1B8D  }
0xb1: {  	s4 =	sshll.u32 @!p0 s4, $0x11;
	s6 =	sadd.s32 @!p0 $0x11B8D, s6;
	_ =	swait.eq @!p0 [sflag:s5], $0x1  }
0xb2: {  	s4 =	sor.u32 @!p0 s4, s6;
	[sflag:s5] =	ssyncadd.s32 @!p0 $0xFFFFFFFF  }
0xb3: {  	s25 =	simm.s32 $0x1B8E;
	s24 =	sld [smem:$0x3FFE];
	[sflag:s4] =	ssyncadd.remote.s32 @!p0 $0x1  }
0xb4: {  	s26 =	simm.s32 $execute0_lowered;
	[smem:$0x3FD2] =	sst s25  }
0xb5: {  	s5 =	sshll.u32 s26, $0x1;
	_ =	strace $0x8000004C;
	[dreg:$0x1] =	wrdreg $0xFFFFFFFF  }
0xb6: {  	s28 =	simm.s32 $_size_execute0_lowered;
	s3 =	sadd.s32 s3, s5;
	[dreg:$0x0] =	wrdreg $0x0  }
0xb7: {  	s5 =	sshll.u32 s28, $0x1;
	[dreg:$0x2] =	wrdreg s3  }
0xb8: {  	[dreg:$0x3] =	wrdreg s5  }
0xb9: {  	[dreg:$0x4] =	wrdreg $0xC0  }
0xba: {  	_ =	task [dreg:s22], $0x5FFFF  }
0xbb: {  	[dreg:$0x1] =	wrdreg $0xFFFFFFFF  }
0xbc: {  	[dreg:$0x0] =	wrdreg $0x60  }
0xbd: {  	[dreg:$0x2] =	wrdreg s24  }
0xbe: {  	[dreg:$0x3] =	wrdreg $0xA  }
0xbf: {  	_ =	task.clear_ibuf [dreg:s22], $0x4FFFF;
	_ =	strace $0x9000004C  }
0xc0: {  	s29 =	simm.s32 $0xA;
	_ =	strace $0x8000004E  }
0xc1: {  	_ =	swait.ge [sflag:s29], $0x1  }
0xc2: {  	[sflag:s29] =	ssyncadd.s32 $0xFFFFFFFF  }
0xc3: {  	_ =	strace $0x9000004E  }
0xc4: {  	_ =	sfence  }
0xc5: {  	s30 =	sld [smem:$0x0];
	_ =	sdelay $0x2  }
0xc6: {  	s31 =	sshll.u32 s1, $0xD;
	s1 =	sshrl.u32 s1, $0x2  }
0xc7: {  	s4 =	sand.u32 $0x4000, s31;
	s1 =	sadd.s32 s1, s30  }
0xc8: {  	s0 =	sor.u32 s4, s0;
	s1 =	sshll.u32 s1, $0x11  }
0xc9: {  	s0 =	sor.u32 s1, s0  }
0xca: {  	s0 =	sadd.s32 $0x8F2B, s0  }
0xcb: {  	[sflag:s0] =	ssyncadd.remote.s32 $0x1  }
0xcc: {  	_ =	sfence.sel $0xFFFF  }
0xcd: {  	[dreg:$0x0] =	wrdreg $0xFFFFFFFF;
	(pc) =	sbr.abs _section_cstart, $3  }
0xce: {  	[dreg:$0x1] =	wrdreg $0xFFFFFFFF  }
0xcf: {  	_ =	task.clear_ibuf [dreg:s22], $0x2FFFF;
	_ =	strace $0x9FFFFFFF  }
0xd0: {  	(tm) =	ssettm $0x7FFFFFFF  }
0xd1: {  	_ =	shalt  }
tec
execute0_lowered:
.L_overlay_start_1:
0x0: {  	(tag) =	ssettag $0x1  }
0x1: {  	s4 =	rddreg [dreg:$0x0]  }
0x2: {  	s0 =	rddreg [dreg:$0x1];
	s2 =	simm.s32 $0x0;
	s3 =	srdreg.scid  }
0x3: {  	s1 =	stileid.u32;
	s10 =	simm.s32 $0x1080;
	s11 =	simm.s32 $0x1880  }
0x4: {  	s12 =	simm.s32 $0x2080;
	s13 =	simm.s32 $0x2880;
	s14 =	simm.s32 $0x3080  }
0x5: {  	s15 =	simm.s32 $0x3880;
	s16 =	simm.s32 $0x4080;
	s17 =	simm.s32 $0x4880  }
0x6: {  	s18 =	simm.s32 $0x5080;
	s19 =	simm.s32 $0x5880;
	s20 =	simm.s32 $0x6080  }
0x7: {  	s21 =	simm.s32 $0x6880;
	s22 =	simm.s32 $0x7080;
	s23 =	simm.s32 $0x7880  }
0x8: {  	s24 =	simm.s32 $0x1;
	s25 =	simm.s32 $0x0;
	s6 =	smul.u32 $0x900, s1  }
0x9: {  	[smem:$0x7FF] =	sst s2;
	s5 =	sand.u32 $0x1, s3;
	s8 =	smul.u32 $0x12000, s1  }
0xa: {  	s3 =	sadd.s32 $0x2A6E00, s4;
	s7 =	smul.u32 $0x480, s5;
	s9 =	ssub.s32 $0x2, s5  }
0xb: {  	_ =	strace $0x8000004D;
	s5 =	smul.u32 $0x9000, s5;
	s31 =	sshrl.u32 s9, $0x1  }
0xc: {  	s8 =	sadd.s32 s8, s4;
	s6 =	sadd.s32 s7, s6;
	s7 =	ssub.s32 s9, s31  }
0xd: {  	v2 =	vlaneseq.u32;
	s5 =	sadd.s32 s5, s8;
	s8 =	simm.s32 $0x80;
	s6 =	sshrl.u32 s6, $0x3  }
0xe: {  	vm0 =	vmmov $0xffff;
	v1 =	vshrl.u32 v2, $0x3;
	s9 =	simm.s32 $0x880;
	s5 =	sadd.s32 $0x2C8000, s5;
	s6 =	sadd.s32 s6, s4  }
0xf: {  	v0 =	vand.u32 $0x7, v2;
	v2 =	vor.u32 $0x8, v2;
	v1 =	vmul.u32 $0x8, v1;
	s4 =	smax.u32 s7, $0x1;
	s7 =	simm.s32 $0x2;
	s6 =	sadd.s32 $0x2C6E00, s6  }
.LBB2_1:
0x10: {  	s26 =	smov.u32 s5;
	s28 =	simm.s32 $0x0  }
.LBB2_2:
0x11: {  	s29 =	sadd.s32 s28, s6  }
0x12: {  	[tilespmem:s2], [sflag:$0x2] =	stream.linear.gather [hbm4b:s29+s2], $0x80, $0x38;
	[tilespmem:$0x8080] =	vst v63  }
0x13: {  	_ =	swait.ge [sflag:s7], $0x80  }
0x14: {  	[sflag:s7] =	ssyncset.done $0x0  }
0x15: {  	[sflag:s7] =	ssyncadd.s32 $0xFFFFFF80  }
0x16: {  	v3 =	vld [tilespmem:$0x0];
	_ =	sdelay $0x4  }
0x17: {  	v4 =	vshll.u32 v3, $0x1  }
0x18: {  	v3 =	vand.u32 $0x7, v3;
	v4 =	vand.u32 $0xFFFFFFF0, v4  }
0x19: {  	v3 =	vor.u32 v3, v4  }
0x1a: {  	v4 =	vperm.xlane v3, v0;
	_ =	sdelay $0x1  }
0x1b: {  	v3 =	vperm.xlane v3, v2;
	v4 =	vadd.s32 v1, v4;
	_ =	sdelay $0x1  }
0x1c: {  	v3 =	vadd.s32 v1, v3;
	_ =	sdelay $0x2  }
0x1d: {  	[tilespmem:s8], [sflag:$0x1] =	stream.indirect_vreg.gather [hbm4b:s3+s2], $0x80, v4, vm0, $0xb8;
	[tilespmem:$0x8080] =	vst v63  }
0x1e: {  	_ = 	snop  }
0x1f: {  	[tilespmem:s9], [sflag:$0x1] =	stream.indirect_vreg.gather [hbm4b:s3+s2], $0x80, v3, vm0, $0xb8;
	[tilespmem:$0x8080] =	vst v63  }
0x20: {  	v3 =	vld [tilespmem:$0x10];
	_ =	sdelay $0x4  }
0x21: {  	v57 =	vshll.u32 v3, $0x1  }
0x22: {  	v3 =	vand.u32 $0x7, v3;
	v4 =	vand.u32 $0xFFFFFFF0, v57  }
0x23: {  	v3 =	vor.u32 v3, v4  }
0x24: {  	v4 =	vperm.xlane v3, v0;
	_ =	sdelay $0x1  }
0x25: {  	v3 =	vperm.xlane v3, v2;
	v4 =	vadd.s32 v1, v4;
	_ =	sdelay $0x1  }
0x26: {  	v3 =	vadd.s32 v1, v3;
	_ =	sdelay $0x2  }
0x27: {  	[tilespmem:s10], [sflag:$0x1] =	stream.indirect_vreg.gather [hbm4b:s3+s2], $0x80, v4, vm0, $0xb8;
	[tilespmem:$0x8080] =	vst v63  }
0x28: {  	_ = 	snop  }
0x29: {  	[tilespmem:s11], [sflag:$0x1] =	stream.indirect_vreg.gather [hbm4b:s3+s2], $0x80, v3, vm0, $0xb8;
	[tilespmem:$0x8080] =	vst v63  }
0x2a: {  	v3 =	vld [tilespmem:$0x20];
	_ =	sdelay $0x4  }
0x2b: {  	v58 =	vshll.u32 v3, $0x1  }
0x2c: {  	v3 =	vand.u32 $0x7, v3;
	v4 =	vand.u32 $0xFFFFFFF0, v58  }
0x2d: {  	v3 =	vor.u32 v3, v4  }
0x2e: {  	v4 =	vperm.xlane v3, v0;
	_ =	sdelay $0x1  }
0x2f: {  	v3 =	vperm.xlane v3, v2;
	v4 =	vadd.s32 v1, v4;
	_ =	sdelay $0x1  }
0x30: {  	v3 =	vadd.s32 v1, v3;
	_ =	sdelay $0x2  }
0x31: {  	[tilespmem:s12], [sflag:$0x1] =	stream.indirect_vreg.gather [hbm4b:s3+s2], $0x80, v4, vm0, $0xb8;
	[tilespmem:$0x8080] =	vst v63  }
0x32: {  	_ = 	snop  }
0x33: {  	[tilespmem:s13], [sflag:$0x1] =	stream.indirect_vreg.gather [hbm4b:s3+s2], $0x80, v3, vm0, $0xb8;
	[tilespmem:$0x8080] =	vst v63  }
0x34: {  	v3 =	vld [tilespmem:$0x30];
	_ =	sdelay $0x4  }
0x35: {  	v59 =	vshll.u32 v3, $0x1  }
0x36: {  	v3 =	vand.u32 $0x7, v3;
	v4 =	vand.u32 $0xFFFFFFF0, v59  }
0x37: {  	v3 =	vor.u32 v3, v4  }
0x38: {  	v4 =	vperm.xlane v3, v0;
	_ =	sdelay $0x1  }
0x39: {  	v3 =	vperm.xlane v3, v2;
	v4 =	vadd.s32 v1, v4;
	_ =	sdelay $0x1  }
0x3a: {  	v3 =	vadd.s32 v1, v3;
	_ =	sdelay $0x2  }
0x3b: {  	[tilespmem:s14], [sflag:$0x1] =	stream.indirect_vreg.gather [hbm4b:s3+s2], $0x80, v4, vm0, $0xb8;
	[tilespmem:$0x8080] =	vst v63  }
0x3c: {  	_ = 	snop  }
0x3d: {  	[tilespmem:s15], [sflag:$0x1] =	stream.indirect_vreg.gather [hbm4b:s3+s2], $0x80, v3, vm0, $0xb8;
	[tilespmem:$0x8080] =	vst v63  }
0x3e: {  	v3 =	vld [tilespmem:$0x40];
	_ =	sdelay $0x4  }
0x3f: {  	v60 =	vshll.u32 v3, $0x1  }
0x40: {  	v3 =	vand.u32 $0x7, v3;
	v4 =	vand.u32 $0xFFFFFFF0, v60  }
0x41: {  	v3 =	vor.u32 v3, v4  }
0x42: {  	v4 =	vperm.xlane v3, v0;
	_ =	sdelay $0x1  }
0x43: {  	v3 =	vperm.xlane v3, v2;
	v4 =	vadd.s32 v1, v4;
	_ =	sdelay $0x1  }
0x44: {  	v3 =	vadd.s32 v1, v3;
	_ =	sdelay $0x2  }
0x45: {  	[tilespmem:s16], [sflag:$0x1] =	stream.indirect_vreg.gather [hbm4b:s3+s2], $0x80, v4, vm0, $0xb8;
	[tilespmem:$0x8080] =	vst v63  }
0x46: {  	_ = 	snop  }
0x47: {  	[tilespmem:s17], [sflag:$0x1] =	stream.indirect_vreg.gather [hbm4b:s3+s2], $0x80, v3, vm0, $0xb8;
	[tilespmem:$0x8080] =	vst v63  }
0x48: {  	v3 =	vld [tilespmem:$0x50];
	_ =	sdelay $0x4  }
0x49: {  	v61 =	vshll.u32 v3, $0x1  }
0x4a: {  	v3 =	vand.u32 $0x7, v3;
	v4 =	vand.u32 $0xFFFFFFF0, v61  }
0x4b: {  	v3 =	vor.u32 v3, v4  }
0x4c: {  	v4 =	vperm.xlane v3, v0;
	_ =	sdelay $0x1  }
0x4d: {  	v3 =	vperm.xlane v3, v2;
	v4 =	vadd.s32 v1, v4;
	_ =	sdelay $0x1  }
0x4e: {  	v3 =	vadd.s32 v1, v3;
	_ =	sdelay $0x2  }
0x4f: {  	[tilespmem:s18], [sflag:$0x1] =	stream.indirect_vreg.gather [hbm4b:s3+s2], $0x80, v4, vm0, $0xb8;
	[tilespmem:$0x8080] =	vst v63  }
0x50: {  	_ = 	snop  }
0x51: {  	[tilespmem:s19], [sflag:$0x1] =	stream.indirect_vreg.gather [hbm4b:s3+s2], $0x80, v3, vm0, $0xb8;
	[tilespmem:$0x8080] =	vst v63  }
0x52: {  	v3 =	vld [tilespmem:$0x60];
	_ =	sdelay $0x4  }
0x53: {  	v62 =	vshll.u32 v3, $0x1  }
0x54: {  	v3 =	vand.u32 $0x7, v3;
	v4 =	vand.u32 $0xFFFFFFF0, v62  }
0x55: {  	v3 =	vor.u32 v3, v4  }
0x56: {  	v4 =	vperm.xlane v3, v0;
	_ =	sdelay $0x1  }
0x57: {  	v3 =	vperm.xlane v3, v2;
	v4 =	vadd.s32 v1, v4;
	_ =	sdelay $0x1  }
0x58: {  	v3 =	vadd.s32 v1, v3;
	_ =	sdelay $0x2  }
0x59: {  	[tilespmem:s20], [sflag:$0x1] =	stream.indirect_vreg.gather [hbm4b:s3+s2], $0x80, v4, vm0, $0xb8;
	[tilespmem:$0x8080] =	vst v63  }
0x5a: {  	_ = 	snop  }
0x5b: {  	[tilespmem:s21], [sflag:$0x1] =	stream.indirect_vreg.gather [hbm4b:s3+s2], $0x80, v3, vm0, $0xb8;
	[tilespmem:$0x8080] =	vst v63  }
0x5c: {  	v3 =	vld [tilespmem:$0x70];
	_ =	sdelay $0x4  }
0x5d: {  	v63 =	vshll.u32 v3, $0x1  }
0x5e: {  	v3 =	vand.u32 $0x7, v3;
	v4 =	vand.u32 $0xFFFFFFF0, v63  }
0x5f: {  	v3 =	vor.u32 v3, v4  }
0x60: {  	v4 =	vperm.xlane v3, v0;
	_ =	sdelay $0x1  }
0x61: {  	v3 =	vperm.xlane v3, v2;
	v4 =	vadd.s32 v1, v4;
	_ =	sdelay $0x1  }
0x62: {  	v3 =	vadd.s32 v1, v3;
	_ =	sdelay $0x2  }
0x63: {  	[tilespmem:s22], [sflag:$0x1] =	stream.indirect_vreg.gather [hbm4b:s3+s2], $0x80, v4, vm0, $0xb8;
	[tilespmem:$0x8080] =	vst v63  }
0x64: {  	_ = 	snop  }
0x65: {  	[tilespmem:s23], [sflag:$0x1] =	stream.indirect_vreg.gather [hbm4b:s3+s2], $0x80, v3, vm0, $0xb8;
	[tilespmem:$0x8080] =	vst v63  }
0x66: {  	_ =	swait.ge [sflag:s24], $0x8000  }
0x67: {  	p0 =	sne.s32 s28, $0x80;
	[sflag:s24] =	ssyncset.done $0x0  }
.Ltmp0:
0x68: {  	[sflag:s24] =	ssyncadd.s32 $0xFFFF8000;
	(pc) =	sbr.rel @p0 .LBB2_2-.Ltmp0, $4  }
0x69: {  	[hbm4b:s26+s2] =	stream.linear.scatter [tilespmem:s8], [sflag:$0x2], $0x8000, $0x38;
	[tilespmem:$0x8080] =	vst v63  }
0x6a: {  	_ =	swait.ge [sflag:s7], $0x8000  }
0x6b: {  	[sflag:s7] =	ssyncset.done $0x0  }
0x6c: {  	s28 =	sadd.s32 $0x10, s28;
	s26 =	sadd.s32 $0x1000, s26;
	[sflag:s7] =	ssyncadd.s32 $0xFFFF8000  }
0x6d: {  	s25 =	sadd.s32 $0x1, s25  }
0x6e: {  	p0 =	sne.s32 s25, s4  }
.Ltmp1:
0x6f: {  	_ = 	snop;
	(pc) =	sbr.rel @p0 .LBB2_1-.Ltmp1, $1  }
0x70: {  	_ =	sdelay $0x3  }
0x71: {  	_ =	sfence.sel $0x180000  }
0x72: {  	[bflag:$0x0] =	sbarrier.arrive $0xFFFF  }
0x73: {  	p0 =	sne.s32 s1, $0x0;
	_ =	strace $0x9000004D  }
0x74: {  	s0 =	sadd.s32 @!p0 $0x100000, s0;
	[bflag:$0x2] =	sbarrier.arrive $0xFFFF  }
0x75: {  	[sflag:s0] =	ssyncadd.tile.s32 @!p0 $0x1;
	_ =	shalt  }
.Lfunc_end2:
_tile_overlayer_lowered:
.L_overlay_start_2:
0x76: {  	(tag) =	ssettag $0x2  }
0x77: {  	s0 =	rddreg [dreg:$0x0];
	s2 =	stileid.u32  }
0x78: {  	s1 =	rddreg [dreg:$0x1];
	p0 =	sne.s32 s2, $0x0  }
0x79: {  	s3 =	rddreg [dreg:$0x2];
	[bflag:$0x3] =	sbarrier.arrive $0xFFFF;
	s2 =	simm.s32 @!p0 $0x1C02  }
0x7a: {  	[timem:s3], [sflag:s2] =	dma.local @!p0 [hbm:s0], s1  }
0x7b: {  	s0 =	simm.s32 @!p0 $0x2  }
0x7c: {  	_ =	swait.ge @!p0 [sflag:s0], s1  }
0x7d: {  	s1 =	ssub.s32 @!p0 $0x0, s1;
	[sflag:s0] =	ssyncset.done @!p0 $0x0  }
0x7e: {  	[sflag:s0] =	ssyncadd.s32 @!p0 s1  }
0x7f: {  	[bflag:$0x3] =	sbarrier.arrive $0xFFFF  }
0x80: {  	_ =	shalt  }

// kernel: kernel.20.cloned.1.call-start
scs
__scs_entry_jumppad:
0x0: {  	(pc) =	sbr.rel $0x88, $3  }
0x1: {  	(tag) =	ssettag $0x0;
	lr =	simm.s32 $0x1  }
0x2: {  	[smem:$0x3F9C] =	sst lr;
	_ =	strace $0xD0000000  }
0x3: {  	_ = 	snop  }
0x4: {  	_ = 	snop  }
0x5: {  	_ = 	snop  }
0x6: {  	_ = 	snop  }
0x7: {  	_ = 	snop  }
__scs_overlays_trampoline_lowered:
0x8: {  	[smem:$0x3FAB] =	sst s0  }
0x9: {  	[smem:$0x3FAC] =	sst s1  }
0xa: {  	[smem:$0x3FAD] =	sst s2  }
0xb: {  	[smem:$0x3FAE] =	sst s3  }
0xc: {  	[smem:$0x3FAF] =	sst s4  }
0xd: {  	[smem:$0x3FB0] =	sst s5  }
0xe: {  	[smem:$0x3FB1] =	sst s6  }
0xf: {  	[smem:$0x3FB2] =	sst s7  }
0x10: {  	[smem:$0x3FB3] =	sst s8  }
0x11: {  	[smem:$0x3FB4] =	sst s9;
	s0 =	simm.s32 @!p0 $0x0  }
0x12: {  	s1 =	sld [smem:$0x3F9A];
	s0 =	simm.s32 @p0 $0x1  }
0x13: {  	[smem:$0x3FB5] =	sst s0;
	s0 =	simm.s32 @!p1 $0x0  }
0x14: {  	s2 =	sld [smem:$0x3F99];
	s0 =	simm.s32 @p1 $0x1  }
0x15: {  	[smem:$0x3FB6] =	sst s0;
	s0 =	simm.s32 @!p2 $0x0  }
0x16: {  	s3 =	sld [smem:$0x3FDB];
	s0 =	simm.s32 @p2 $0x1  }
0x17: {  	s4 =	simm.s32 $0x1BF5;
	[smem:$0x3FB8] =	sst s0  }
0x18: {  	s0 =	sld [smem:$0x3F9B];
	_ =	swait.ge [sflag:s4], $0x0  }
0x19: {  	s7 =	sld [smem:$0x3F9C]  }
0x1a: {  	s8 =	sadd.s32 $0xFFFFE003, lr  }
0x1b: {  	s9 =	sadd.s32 $0xFFFFFEF7, lr;
	s5 =	simm.s32 $0xFFFFFFFF;
	p2 =	slt.u32 s8, $0xFFFFF086  }
0x1c: {  	p1 =	slt.u32 s9, $0xF7A;
	s5 =	simm.s32 @!p2 $0x0  }
0x1d: {  	s5 =	simm.s32 @p1 $0x1;
	p0 =	seq.s32 s7, s2  }
0x1e: {  	s7 =	smul.u32 @!p0 $0xF7A, s2;
	p2 =	seq.s32 @!p0 s5, $0x0  }
0x1f: {  	s9 =	smul.u32 $0xF7A, s1;
	s8 =	simm.s32 @!p0 $0x1BF5;
	p2 =	por !p2, p0  }
0x20: {  	[sflag:s8] =	ssyncset.s32 @!p0 $0xFFFFF086;
	s6 =	sadd.s32 @!p0 s3, s7;
	s7 =	simm.s32 @!p0 $0x108  }
0x21: {  	s3 =	sadd.s32 s3, s9;
	s6 =	sadd.s32 @!p0 $0x88, s6;
	s7 =	simm.s32 @p2 $0x1082  }
0x22: {  	[simem:s7], [sflag:s8] =	dma.local @!p0 [hbm:s6], $0xF7A  }
0x23: {  	s9 =	sor.u32 $0xD0000000, s2;
	s6 =	simm.s32 $0x108;
	_ =	swait.ge @!p0 [sflag:s8], $0x0  }
0x24: {  	s3 =	sadd.s32 $0x88, s3;
	s6 =	simm.s32 @!p1 $0x1082;
	[sflag:s4] =	ssyncset.s32 $0xFFFFF086  }
0x25: {  	[simem:s6], [sflag:s4] =	dma.local [hbm:s3], $0xF7A  }
0x26: {  	[smem:$0x3F9C] =	sst s1;
	(tag) =	ssettag s2;
	_ =	strace s9  }
0x27: {  	s1 =	sld [smem:$0x3FAC]  }
0x28: {  	s2 =	sld [smem:$0x3FAD]  }
0x29: {  	s4 =	sld [smem:$0x3FAF]  }
0x2a: {  	p0 =	seq.s32 s5, $0x0;
	s5 =	sld [smem:$0x3FB0]  }
0x2b: {  	s6 =	sld [smem:$0x3FB1]  }
0x2c: {  	s7 =	sld [smem:$0x3FB2]  }
0x2d: {  	s3 =	simm.s32 $0x108;
	s8 =	sld [smem:$0x3FB3]  }
0x2e: {  	s3 =	simm.s32 @!p0 $0x1082;
	s9 =	sld [smem:$0x3FB4]  }
0x2f: {  	lr =	sadd.s32 s0, s3;
	s0 =	sld [smem:$0x3FAB]  }
0x30: {  	s3 =	sld [smem:$0x3FAE]  }
0x31: {  	[smem:$0x3FB7] =	sst s10  }
0x32: {  	s10 =	sld [smem:$0x3FB5];
	_ =	sdelay $0x3  }
0x33: {  	p0 =	seq.s32 s10, $0x1;
	s10 =	sld [smem:$0x3FB7];
	_ =	sdelay $0x3  }
0x34: {  	[smem:$0x3FB7] =	sst s10  }
0x35: {  	s10 =	sld [smem:$0x3FB6];
	_ =	sdelay $0x3  }
0x36: {  	p1 =	seq.s32 s10, $0x1;
	s10 =	sld [smem:$0x3FB7];
	_ =	sdelay $0x3  }
0x37: {  	[smem:$0x3FB7] =	sst s10  }
0x38: {  	s10 =	sld [smem:$0x3FB8]  }
0x39: {  	_ = 	snop;
	(pc) =	sbr.ind lr, $3  }
0x3a: {  	_ = 	snop  }
0x3b: {  	_ = 	snop  }
0x3c: {  	p2 =	seq.s32 s10, $0x1;
	s10 =	sld [smem:$0x3FB7]  }
0x3d: {  	_ =	shalt  }
0x3e: {  	_ =	shalt  }
0x3f: {  	_ =	shalt  }
0x40: {  	_ =	shalt  }
0x41: {  	_ =	shalt  }
0x42: {  	_ =	shalt  }
0x43: {  	_ =	shalt  }
0x44: {  	_ =	shalt  }
0x45: {  	_ =	shalt  }
0x46: {  	_ =	shalt  }
0x47: {  	_ =	shalt  }
0x48: {  	_ =	shalt  }
0x49: {  	_ =	shalt  }
0x4a: {  	_ =	shalt  }
0x4b: {  	_ =	shalt  }
0x4c: {  	_ =	shalt  }
0x4d: {  	_ =	shalt  }
0x4e: {  	_ =	shalt  }
0x4f: {  	_ =	shalt  }
0x50: {  	_ =	shalt  }
0x51: {  	_ =	shalt  }
0x52: {  	_ =	shalt  }
0x53: {  	_ =	shalt  }
0x54: {  	_ =	shalt  }
0x55: {  	_ =	shalt  }
0x56: {  	_ =	shalt  }
0x57: {  	_ =	shalt  }
0x58: {  	_ =	shalt  }
0x59: {  	_ =	shalt  }
0x5a: {  	_ =	shalt  }
0x5b: {  	_ =	shalt  }
0x5c: {  	_ =	shalt  }
0x5d: {  	_ =	shalt  }
0x5e: {  	_ =	shalt  }
0x5f: {  	_ =	shalt  }
0x60: {  	_ =	shalt  }
0x61: {  	_ =	shalt  }
0x62: {  	_ =	shalt  }
0x63: {  	_ =	shalt  }
0x64: {  	_ =	shalt  }
0x65: {  	_ =	shalt  }
0x66: {  	_ =	shalt  }
0x67: {  	_ =	shalt  }
0x68: {  	_ =	shalt  }
0x69: {  	_ =	shalt  }
0x6a: {  	_ =	shalt  }
0x6b: {  	_ =	shalt  }
0x6c: {  	_ =	shalt  }
0x6d: {  	_ =	shalt  }
0x6e: {  	_ =	shalt  }
0x6f: {  	_ =	shalt  }
0x70: {  	_ =	shalt  }
0x71: {  	_ =	shalt  }
0x72: {  	_ =	shalt  }
0x73: {  	_ =	shalt  }
0x74: {  	_ =	shalt  }
0x75: {  	_ =	shalt  }
0x76: {  	_ =	shalt  }
0x77: {  	_ =	shalt  }
0x78: {  	_ =	shalt  }
0x79: {  	_ =	shalt  }
0x7a: {  	_ =	shalt  }
0x7b: {  	_ =	shalt  }
0x7c: {  	_ =	shalt  }
0x7d: {  	_ =	shalt  }
0x7e: {  	_ =	shalt  }
0x7f: {  	_ =	shalt  }
0x80: {  	_ =	shalt  }
0x81: {  	_ =	shalt  }
0x82: {  	_ =	shalt  }
0x83: {  	_ =	shalt  }
0x84: {  	_ =	shalt  }
0x85: {  	_ =	shalt  }
0x86: {  	_ =	shalt  }
0x87: {  	_ =	shalt  }
.Lfunc_end0:
.L_simem_size_0:
called_computation.2_lowered:
.L_overlay_start_0:
0x88: {  	s2 =	sld [smem:$0x3FD9]  }
0x89: {  	s3 =	sld [smem:$0x3FFE];
	_ =	sdelay $0x1  }
0x8a: {  	s1 =	srdreg.scid  }
0x8b: {  	s0 =	sand.u32 $0x1, s1  }
0x8c: {  	s17 =	sshll.u32 s0, $0xA;
	s2 =	sadd.s32 s3, s2  }
0x8d: {  	s2 =	sadd.s32 s2, s17  }
0x8e: {  	[smem:$0x3FC3] =	sst s2  }
0x8f: {  	_ = 	snop  }
0x90: {  	(tm) =	ssettm $0x1  }
0x91: {  	s18 =	sld [smem:$0x3FFB];
	_ =	sdelay $0x3  }
0x92: {  	_ =	strace s18  }
0x93: {  	s2 =	sld [smem:$0x3FFC];
	_ =	sdelay $0x3  }
0x94: {  	_ =	strace s2  }
0x95: {  	s2 =	sld [smem:$0x3FFD];
	_ =	sdelay $0x3  }
0x96: {  	_ =	strace s2  }
0x97: {  	_ =	strace $0x8FFFFFFF  }
0x98: {  	s19 =	sld [smem:$0x3FDB];
	_ =	sdelay $0x1  }
0x99: {  	s20 =	simm.s32 $_scs_section_size  }
0x9a: {  	s4 =	simm.s32 $_size__tile_overlayer_lowered;
	s5 =	simm.s32 $_tile_overlayer_lowered  }
0x9b: {  	s6 =	simm.s32 $0x1BFF;
	s21 =	sshll.u32 s5, $0x1;
	s3 =	sadd.s32 s20, s19  }
0x9c: {  	s22 =	simm.s32 $0x0;
	s4 =	sshll.u32 s4, $0x1;
	s5 =	sadd.s32 s21, s3  }
0x9d: {  	[timem:s22], [sflag:s6] =	dma.local [hbm:s5], s4  }
0x9e: {  	_ =	swait.ge [sflag:s6], s4  }
0x9f: {  	s4 =	ssub.s32 $0x0, s4;
	[sflag:s6] =	ssyncset.done $0x0  }
0xa0: {  	[sflag:s6] =	ssyncadd.s32 s4;
	_ =	sdelay $0x1  }
0xa1: {  	s23 =	simm.s32 $0x1B8B  }
0xa2: {  	_ =	swait.ge [sflag:s23], $0x1  }
0xa3: {  	[sflag:s23] =	ssyncset.done $0x0  }
0xa4: {  	[sflag:s23] =	ssyncadd.s32 $0xFFFFFFFF  }
0xa5: {  	s4 =	sld [smem:$0x0]  }
0xa6: {  	s5 =	sand.u32 $0xFFFFFFFE, s1  }
0xa7: {  	p0 =	sne.s32 s1, s5  }
0xa8: {  	s5 =	sshll.u32 @p0 s5, $0xE  }
0xa9: {  	s5 =	sadd.s32 @p0 $0x11B8D, s5;
	s6 =	sshll.u32 @p0 s4, $0x11  }
0xaa: {  	s5 =	sor.u32 @p0 s6, s5  }
0xab: {  	[sflag:s5] =	ssyncadd.remote.s32 @p0 $0x1;
	_ =	sdelay $0x1  }
0xac: {  	s5 =	simm.s32 @p0 $0x1B8D  }
0xad: {  	_ =	swait.eq @p0 [sflag:s5], $0x1  }
0xae: {  	[sflag:s5] =	ssyncadd.s32 @p0 $0xFFFFFFFF  }
0xaf: {  	s6 =	sshll.u32 @!p0 s1, $0xE  }
0xb0: {  	s6 =	sor.u32 @!p0 $0x4000, s6;
	s5 =	simm.s32 @!p0 $0x1B8D  }
0xb1: {  	s4 =	sshll.u32 @!p0 s4, $0x11;
	s6 =	sadd.s32 @!p0 $0x11B8D, s6;
	_ =	swait.eq @!p0 [sflag:s5], $0x1  }
0xb2: {  	s4 =	sor.u32 @!p0 s4, s6;
	[sflag:s5] =	ssyncadd.s32 @!p0 $0xFFFFFFFF  }
0xb3: {  	s25 =	simm.s32 $0x1B8E;
	s24 =	sld [smem:$0x3FFE];
	[sflag:s4] =	ssyncadd.remote.s32 @!p0 $0x1  }
0xb4: {  	s26 =	simm.s32 $execute0_lowered;
	[smem:$0x3FD2] =	sst s25  }
0xb5: {  	s5 =	sshll.u32 s26, $0x1;
	_ =	strace $0x80000049;
	[dreg:$0x1] =	wrdreg $0xFFFFFFFF  }
0xb6: {  	s28 =	simm.s32 $_size_execute0_lowered;
	s3 =	sadd.s32 s3, s5;
	[dreg:$0x0] =	wrdreg $0x0  }
0xb7: {  	s5 =	sshll.u32 s28, $0x1;
	[dreg:$0x2] =	wrdreg s3  }
0xb8: {  	[dreg:$0x3] =	wrdreg s5  }
0xb9: {  	[dreg:$0x4] =	wrdreg $0xC0  }
0xba: {  	_ =	task [dreg:s22], $0x5FFFF  }
0xbb: {  	[dreg:$0x1] =	wrdreg $0xFFFFFFFF  }
0xbc: {  	[dreg:$0x0] =	wrdreg $0x60  }
0xbd: {  	[dreg:$0x2] =	wrdreg s24  }
0xbe: {  	[dreg:$0x3] =	wrdreg $0xB  }
0xbf: {  	_ =	task.clear_ibuf [dreg:s22], $0x4FFFF;
	_ =	strace $0x90000049  }
0xc0: {  	s29 =	simm.s32 $0xB;
	_ =	strace $0x8000004B  }
0xc1: {  	_ =	swait.ge [sflag:s29], $0x1  }
0xc2: {  	[sflag:s29] =	ssyncadd.s32 $0xFFFFFFFF  }
0xc3: {  	_ =	strace $0x9000004B  }
0xc4: {  	_ =	sfence  }
0xc5: {  	s30 =	sld [smem:$0x0];
	_ =	sdelay $0x2  }
0xc6: {  	s31 =	sshll.u32 s1, $0xD;
	s1 =	sshrl.u32 s1, $0x2  }
0xc7: {  	s4 =	sand.u32 $0x4000, s31;
	s1 =	sadd.s32 s1, s30  }
0xc8: {  	s0 =	sor.u32 s4, s0;
	s1 =	sshll.u32 s1, $0x11  }
0xc9: {  	s0 =	sor.u32 s1, s0  }
0xca: {  	s0 =	sadd.s32 $0x8F2B, s0  }
0xcb: {  	[sflag:s0] =	ssyncadd.remote.s32 $0x1  }
0xcc: {  	_ =	sfence.sel $0xFFFF  }
0xcd: {  	[dreg:$0x0] =	wrdreg $0xFFFFFFFF;
	(pc) =	sbr.abs _section_cstart, $3  }
0xce: {  	[dreg:$0x1] =	wrdreg $0xFFFFFFFF  }
0xcf: {  	_ =	task.clear_ibuf [dreg:s22], $0x2FFFF;
	_ =	strace $0x9FFFFFFF  }
0xd0: {  	(tm) =	ssettm $0x7FFFFFFF  }
0xd1: {  	_ =	shalt  }
tec
execute0_lowered:
.L_overlay_start_1:
0x0: {  	(tag) =	ssettag $0x1  }
0x1: {  	s4 =	rddreg [dreg:$0x0]  }
0x2: {  	s0 =	rddreg [dreg:$0x1];
	s2 =	simm.s32 $0x0;
	s3 =	srdreg.scid  }
0x3: {  	s1 =	stileid.u32;
	s10 =	simm.s32 $0x1080;
	s11 =	simm.s32 $0x1880  }
0x4: {  	s12 =	simm.s32 $0x2080;
	s13 =	simm.s32 $0x2880;
	s14 =	simm.s32 $0x3080  }
0x5: {  	s15 =	simm.s32 $0x3880;
	s16 =	simm.s32 $0x4080;
	s17 =	simm.s32 $0x4880  }
0x6: {  	s18 =	simm.s32 $0x5080;
	s19 =	simm.s32 $0x5880;
	s20 =	simm.s32 $0x6080  }
0x7: {  	s21 =	simm.s32 $0x6880;
	s22 =	simm.s32 $0x7080;
	s23 =	simm.s32 $0x7880  }
0x8: {  	s24 =	simm.s32 $0x1;
	s25 =	simm.s32 $0x0;
	s6 =	smul.u32 $0x900, s1  }
0x9: {  	[smem:$0x7FF] =	sst s2;
	s5 =	sand.u32 $0x1, s3;
	s8 =	smul.u32 $0x12000, s1  }
0xa: {  	s3 =	sadd.s32 $0x165C00, s4;
	s7 =	smul.u32 $0x480, s5;
	s9 =	ssub.s32 $0x2, s5  }
0xb: {  	_ =	strace $0x8000004A;
	s5 =	smul.u32 $0x9000, s5;
	s31 =	sshrl.u32 s9, $0x1  }
0xc: {  	s8 =	sadd.s32 s8, s4;
	s6 =	sadd.s32 s7, s6;
	s7 =	ssub.s32 s9, s31  }
0xd: {  	v2 =	vlaneseq.u32;
	s5 =	sadd.s32 s5, s8;
	s8 =	simm.s32 $0x80;
	s6 =	sshrl.u32 s6, $0x3  }
0xe: {  	vm0 =	vmmov $0xffff;
	v1 =	vshrl.u32 v2, $0x3;
	s9 =	simm.s32 $0x880;
	s5 =	sadd.s32 $0x186E00, s5;
	s6 =	sadd.s32 s6, s4  }
0xf: {  	v0 =	vand.u32 $0x7, v2;
	v2 =	vor.u32 $0x8, v2;
	v1 =	vmul.u32 $0x8, v1;
	s4 =	smax.u32 s7, $0x1;
	s7 =	simm.s32 $0x2;
	s6 =	sadd.s32 $0x185C00, s6  }
.LBB2_1:
0x10: {  	s26 =	smov.u32 s5;
	s28 =	simm.s32 $0x0  }
.LBB2_2:
0x11: {  	s29 =	sadd.s32 s28, s6  }
0x12: {  	[tilespmem:s2], [sflag:$0x2] =	stream.linear.gather [hbm4b:s29+s2], $0x80, $0x38;
	[tilespmem:$0x8080] =	vst v63  }
0x13: {  	_ =	swait.ge [sflag:s7], $0x80  }
0x14: {  	[sflag:s7] =	ssyncset.done $0x0  }
0x15: {  	[sflag:s7] =	ssyncadd.s32 $0xFFFFFF80  }
0x16: {  	v3 =	vld [tilespmem:$0x0];
	_ =	sdelay $0x4  }
0x17: {  	v4 =	vshll.u32 v3, $0x1  }
0x18: {  	v3 =	vand.u32 $0x7, v3;
	v4 =	vand.u32 $0xFFFFFFF0, v4  }
0x19: {  	v3 =	vor.u32 v3, v4  }
0x1a: {  	v4 =	vperm.xlane v3, v0;
	_ =	sdelay $0x1  }
0x1b: {  	v3 =	vperm.xlane v3, v2;
	v4 =	vadd.s32 v1, v4;
	_ =	sdelay $0x1  }
0x1c: {  	v3 =	vadd.s32 v1, v3;
	_ =	sdelay $0x2  }
0x1d: {  	[tilespmem:s8], [sflag:$0x1] =	stream.indirect_vreg.gather [hbm4b:s3+s2], $0x80, v4, vm0, $0xb8;
	[tilespmem:$0x8080] =	vst v63  }
0x1e: {  	_ = 	snop  }
0x1f: {  	[tilespmem:s9], [sflag:$0x1] =	stream.indirect_vreg.gather [hbm4b:s3+s2], $0x80, v3, vm0, $0xb8;
	[tilespmem:$0x8080] =	vst v63  }
0x20: {  	v3 =	vld [tilespmem:$0x10];
	_ =	sdelay $0x4  }
0x21: {  	v57 =	vshll.u32 v3, $0x1  }
0x22: {  	v3 =	vand.u32 $0x7, v3;
	v4 =	vand.u32 $0xFFFFFFF0, v57  }
0x23: {  	v3 =	vor.u32 v3, v4  }
0x24: {  	v4 =	vperm.xlane v3, v0;
	_ =	sdelay $0x1  }
0x25: {  	v3 =	vperm.xlane v3, v2;
	v4 =	vadd.s32 v1, v4;
	_ =	sdelay $0x1  }
0x26: {  	v3 =	vadd.s32 v1, v3;
	_ =	sdelay $0x2  }
0x27: {  	[tilespmem:s10], [sflag:$0x1] =	stream.indirect_vreg.gather [hbm4b:s3+s2], $0x80, v4, vm0, $0xb8;
	[tilespmem:$0x8080] =	vst v63  }
0x28: {  	_ = 	snop  }
0x29: {  	[tilespmem:s11], [sflag:$0x1] =	stream.indirect_vreg.gather [hbm4b:s3+s2], $0x80, v3, vm0, $0xb8;
	[tilespmem:$0x8080] =	vst v63  }
0x2a: {  	v3 =	vld [tilespmem:$0x20];
	_ =	sdelay $0x4  }
0x2b: {  	v58 =	vshll.u32 v3, $0x1  }
0x2c: {  	v3 =	vand.u32 $0x7, v3;
	v4 =	vand.u32 $0xFFFFFFF0, v58  }
0x2d: {  	v3 =	vor.u32 v3, v4  }
0x2e: {  	v4 =	vperm.xlane v3, v0;
	_ =	sdelay $0x1  }
0x2f: {  	v3 =	vperm.xlane v3, v2;
	v4 =	vadd.s32 v1, v4;
	_ =	sdelay $0x1  }
0x30: {  	v3 =	vadd.s32 v1, v3;
	_ =	sdelay $0x2  }
0x31: {  	[tilespmem:s12], [sflag:$0x1] =	stream.indirect_vreg.gather [hbm4b:s3+s2], $0x80, v4, vm0, $0xb8;
	[tilespmem:$0x8080] =	vst v63  }
0x32: {  	_ = 	snop  }
0x33: {  	[tilespmem:s13], [sflag:$0x1] =	stream.indirect_vreg.gather [hbm4b:s3+s2], $0x80, v3, vm0, $0xb8;
	[tilespmem:$0x8080] =	vst v63  }
0x34: {  	v3 =	vld [tilespmem:$0x30];
	_ =	sdelay $0x4  }
0x35: {  	v59 =	vshll.u32 v3, $0x1  }
0x36: {  	v3 =	vand.u32 $0x7, v3;
	v4 =	vand.u32 $0xFFFFFFF0, v59  }
0x37: {  	v3 =	vor.u32 v3, v4  }
0x38: {  	v4 =	vperm.xlane v3, v0;
	_ =	sdelay $0x1  }
0x39: {  	v3 =	vperm.xlane v3, v2;
	v4 =	vadd.s32 v1, v4;
	_ =	sdelay $0x1  }
0x3a: {  	v3 =	vadd.s32 v1, v3;
	_ =	sdelay $0x2  }
0x3b: {  	[tilespmem:s14], [sflag:$0x1] =	stream.indirect_vreg.gather [hbm4b:s3+s2], $0x80, v4, vm0, $0xb8;
	[tilespmem:$0x8080] =	vst v63  }
0x3c: {  	_ = 	snop  }
0x3d: {  	[tilespmem:s15], [sflag:$0x1] =	stream.indirect_vreg.gather [hbm4b:s3+s2], $0x80, v3, vm0, $0xb8;
	[tilespmem:$0x8080] =	vst v63  }
0x3e: {  	v3 =	vld [tilespmem:$0x40];
	_ =	sdelay $0x4  }
0x3f: {  	v60 =	vshll.u32 v3, $0x1  }
0x40: {  	v3 =	vand.u32 $0x7, v3;
	v4 =	vand.u32 $0xFFFFFFF0, v60  }
0x41: {  	v3 =	vor.u32 v3, v4  }
0x42: {  	v4 =	vperm.xlane v3, v0;
	_ =	sdelay $0x1  }
0x43: {  	v3 =	vperm.xlane v3, v2;
	v4 =	vadd.s32 v1, v4;
	_ =	sdelay $0x1  }
0x44: {  	v3 =	vadd.s32 v1, v3;
	_ =	sdelay $0x2  }
0x45: {  	[tilespmem:s16], [sflag:$0x1] =	stream.indirect_vreg.gather [hbm4b:s3+s2], $0x80, v4, vm0, $0xb8;
	[tilespmem:$0x8080] =	vst v63  }
0x46: {  	_ = 	snop  }
0x47: {  	[tilespmem:s17], [sflag:$0x1] =	stream.indirect_vreg.gather [hbm4b:s3+s2], $0x80, v3, vm0, $0xb8;
	[tilespmem:$0x8080] =	vst v63  }
0x48: {  	v3 =	vld [tilespmem:$0x50];
	_ =	sdelay $0x4  }
0x49: {  	v61 =	vshll.u32 v3, $0x1  }
0x4a: {  	v3 =	vand.u32 $0x7, v3;
	v4 =	vand.u32 $0xFFFFFFF0, v61  }
0x4b: {  	v3 =	vor.u32 v3, v4  }
0x4c: {  	v4 =	vperm.xlane v3, v0;
	_ =	sdelay $0x1  }
0x4d: {  	v3 =	vperm.xlane v3, v2;
	v4 =	vadd.s32 v1, v4;
	_ =	sdelay $0x1  }
0x4e: {  	v3 =	vadd.s32 v1, v3;
	_ =	sdelay $0x2  }
0x4f: {  	[tilespmem:s18], [sflag:$0x1] =	stream.indirect_vreg.gather [hbm4b:s3+s2], $0x80, v4, vm0, $0xb8;
	[tilespmem:$0x8080] =	vst v63  }
0x50: {  	_ = 	snop  }
0x51: {  	[tilespmem:s19], [sflag:$0x1] =	stream.indirect_vreg.gather [hbm4b:s3+s2], $0x80, v3, vm0, $0xb8;
	[tilespmem:$0x8080] =	vst v63  }
0x52: {  	v3 =	vld [tilespmem:$0x60];
	_ =	sdelay $0x4  }
0x53: {  	v62 =	vshll.u32 v3, $0x1  }
0x54: {  	v3 =	vand.u32 $0x7, v3;
	v4 =	vand.u32 $0xFFFFFFF0, v62  }
0x55: {  	v3 =	vor.u32 v3, v4  }
0x56: {  	v4 =	vperm.xlane v3, v0;
	_ =	sdelay $0x1  }
0x57: {  	v3 =	vperm.xlane v3, v2;
	v4 =	vadd.s32 v1, v4;
	_ =	sdelay $0x1  }
0x58: {  	v3 =	vadd.s32 v1, v3;
	_ =	sdelay $0x2  }
0x59: {  	[tilespmem:s20], [sflag:$0x1] =	stream.indirect_vreg.gather [hbm4b:s3+s2], $0x80, v4, vm0, $0xb8;
	[tilespmem:$0x8080] =	vst v63  }
0x5a: {  	_ = 	snop  }
0x5b: {  	[tilespmem:s21], [sflag:$0x1] =	stream.indirect_vreg.gather [hbm4b:s3+s2], $0x80, v3, vm0, $0xb8;
	[tilespmem:$0x8080] =	vst v63  }
0x5c: {  	v3 =	vld [tilespmem:$0x70];
	_ =	sdelay $0x4  }
0x5d: {  	v63 =	vshll.u32 v3, $0x1  }
0x5e: {  	v3 =	vand.u32 $0x7, v3;
	v4 =	vand.u32 $0xFFFFFFF0, v63  }
0x5f: {  	v3 =	vor.u32 v3, v4  }
0x60: {  	v4 =	vperm.xlane v3, v0;
	_ =	sdelay $0x1  }
0x61: {  	v3 =	vperm.xlane v3, v2;
	v4 =	vadd.s32 v1, v4;
	_ =	sdelay $0x1  }
0x62: {  	v3 =	vadd.s32 v1, v3;
	_ =	sdelay $0x2  }
0x63: {  	[tilespmem:s22], [sflag:$0x1] =	stream.indirect_vreg.gather [hbm4b:s3+s2], $0x80, v4, vm0, $0xb8;
	[tilespmem:$0x8080] =	vst v63  }
0x64: {  	_ = 	snop  }
0x65: {  	[tilespmem:s23], [sflag:$0x1] =	stream.indirect_vreg.gather [hbm4b:s3+s2], $0x80, v3, vm0, $0xb8;
	[tilespmem:$0x8080] =	vst v63  }
0x66: {  	_ =	swait.ge [sflag:s24], $0x8000  }
0x67: {  	p0 =	sne.s32 s28, $0x80;
	[sflag:s24] =	ssyncset.done $0x0  }
.Ltmp0:
0x68: {  	[sflag:s24] =	ssyncadd.s32 $0xFFFF8000;
	(pc) =	sbr.rel @p0 .LBB2_2-.Ltmp0, $4  }
0x69: {  	[hbm4b:s26+s2] =	stream.linear.scatter [tilespmem:s8], [sflag:$0x2], $0x8000, $0x38;
	[tilespmem:$0x8080] =	vst v63  }
0x6a: {  	_ =	swait.ge [sflag:s7], $0x8000  }
0x6b: {  	[sflag:s7] =	ssyncset.done $0x0  }
0x6c: {  	s28 =	sadd.s32 $0x10, s28;
	s26 =	sadd.s32 $0x1000, s26;
	[sflag:s7] =	ssyncadd.s32 $0xFFFF8000  }
0x6d: {  	s25 =	sadd.s32 $0x1, s25  }
0x6e: {  	p0 =	sne.s32 s25, s4  }
.Ltmp1:
0x6f: {  	_ = 	snop;
	(pc) =	sbr.rel @p0 .LBB2_1-.Ltmp1, $1  }
0x70: {  	_ =	sdelay $0x3  }
0x71: {  	_ =	sfence.sel $0x180000  }
0x72: {  	[bflag:$0x0] =	sbarrier.arrive $0xFFFF  }
0x73: {  	p0 =	sne.s32 s1, $0x0;
	_ =	strace $0x9000004A  }
0x74: {  	s0 =	sadd.s32 @!p0 $0x100000, s0;
	[bflag:$0x2] =	sbarrier.arrive $0xFFFF  }
0x75: {  	[sflag:s0] =	ssyncadd.tile.s32 @!p0 $0x1;
	_ =	shalt  }
.Lfunc_end2:
_tile_overlayer_lowered:
.L_overlay_start_2:
0x76: {  	(tag) =	ssettag $0x2  }
0x77: {  	s0 =	rddreg [dreg:$0x0];
	s2 =	stileid.u32  }
0x78: {  	s1 =	rddreg [dreg:$0x1];
	p0 =	sne.s32 s2, $0x0  }
0x79: {  	s3 =	rddreg [dreg:$0x2];
	[bflag:$0x3] =	sbarrier.arrive $0xFFFF;
	s2 =	simm.s32 @!p0 $0x1C02  }
0x7a: {  	[timem:s3], [sflag:s2] =	dma.local @!p0 [hbm:s0], s1  }
0x7b: {  	s0 =	simm.s32 @!p0 $0x2  }
0x7c: {  	_ =	swait.ge @!p0 [sflag:s0], s1  }
0x7d: {  	s1 =	ssub.s32 @!p0 $0x0, s1;
	[sflag:s0] =	ssyncset.done @!p0 $0x0  }
0x7e: {  	[sflag:s0] =	ssyncadd.s32 @!p0 s1  }
0x7f: {  	[bflag:$0x3] =	sbarrier.arrive $0xFFFF  }
0x80: {  	_ =	shalt  }

// kernel: kernel.23.cloned.1.call-start
scs
__scs_entry_jumppad:
0x0: {  	(pc) =	sbr.rel $0x88, $3  }
0x1: {  	(tag) =	ssettag $0x0;
	lr =	simm.s32 $0x1  }
0x2: {  	[smem:$0x3F9C] =	sst lr;
	_ =	strace $0xD0000000  }
0x3: {  	_ = 	snop  }
0x4: {  	_ = 	snop  }
0x5: {  	_ = 	snop  }
0x6: {  	_ = 	snop  }
0x7: {  	_ = 	snop  }
__scs_overlays_trampoline_lowered:
0x8: {  	[smem:$0x3FAB] =	sst s0  }
0x9: {  	[smem:$0x3FAC] =	sst s1  }
0xa: {  	[smem:$0x3FAD] =	sst s2  }
0xb: {  	[smem:$0x3FAE] =	sst s3  }
0xc: {  	[smem:$0x3FAF] =	sst s4  }
0xd: {  	[smem:$0x3FB0] =	sst s5  }
0xe: {  	[smem:$0x3FB1] =	sst s6  }
0xf: {  	[smem:$0x3FB2] =	sst s7  }
0x10: {  	[smem:$0x3FB3] =	sst s8  }
0x11: {  	[smem:$0x3FB4] =	sst s9;
	s0 =	simm.s32 @!p0 $0x0  }
0x12: {  	s1 =	sld [smem:$0x3F9A];
	s0 =	simm.s32 @p0 $0x1  }
0x13: {  	[smem:$0x3FB5] =	sst s0;
	s0 =	simm.s32 @!p1 $0x0  }
0x14: {  	s2 =	sld [smem:$0x3F99];
	s0 =	simm.s32 @p1 $0x1  }
0x15: {  	[smem:$0x3FB6] =	sst s0;
	s0 =	simm.s32 @!p2 $0x0  }
0x16: {  	s3 =	sld [smem:$0x3FDB];
	s0 =	simm.s32 @p2 $0x1  }
0x17: {  	s4 =	simm.s32 $0x1BF5;
	[smem:$0x3FB8] =	sst s0  }
0x18: {  	s0 =	sld [smem:$0x3F9B];
	_ =	swait.ge [sflag:s4], $0x0  }
0x19: {  	s7 =	sld [smem:$0x3F9C]  }
0x1a: {  	s8 =	sadd.s32 $0xFFFFE003, lr  }
0x1b: {  	s9 =	sadd.s32 $0xFFFFFEF7, lr;
	s5 =	simm.s32 $0xFFFFFFFF;
	p2 =	slt.u32 s8, $0xFFFFF086  }
0x1c: {  	p1 =	slt.u32 s9, $0xF7A;
	s5 =	simm.s32 @!p2 $0x0  }
0x1d: {  	s5 =	simm.s32 @p1 $0x1;
	p0 =	seq.s32 s7, s2  }
0x1e: {  	s7 =	smul.u32 @!p0 $0xF7A, s2;
	p2 =	seq.s32 @!p0 s5, $0x0  }
0x1f: {  	s9 =	smul.u32 $0xF7A, s1;
	s8 =	simm.s32 @!p0 $0x1BF5;
	p2 =	por !p2, p0  }
0x20: {  	[sflag:s8] =	ssyncset.s32 @!p0 $0xFFFFF086;
	s6 =	sadd.s32 @!p0 s3, s7;
	s7 =	simm.s32 @!p0 $0x108  }
0x21: {  	s3 =	sadd.s32 s3, s9;
	s6 =	sadd.s32 @!p0 $0x88, s6;
	s7 =	simm.s32 @p2 $0x1082  }
0x22: {  	[simem:s7], [sflag:s8] =	dma.local @!p0 [hbm:s6], $0xF7A  }
0x23: {  	s9 =	sor.u32 $0xD0000000, s2;
	s6 =	simm.s32 $0x108;
	_ =	swait.ge @!p0 [sflag:s8], $0x0  }
0x24: {  	s3 =	sadd.s32 $0x88, s3;
	s6 =	simm.s32 @!p1 $0x1082;
	[sflag:s4] =	ssyncset.s32 $0xFFFFF086  }
0x25: {  	[simem:s6], [sflag:s4] =	dma.local [hbm:s3], $0xF7A  }
0x26: {  	[smem:$0x3F9C] =	sst s1;
	(tag) =	ssettag s2;
	_ =	strace s9  }
0x27: {  	s1 =	sld [smem:$0x3FAC]  }
0x28: {  	s2 =	sld [smem:$0x3FAD]  }
0x29: {  	s4 =	sld [smem:$0x3FAF]  }
0x2a: {  	p0 =	seq.s32 s5, $0x0;
	s5 =	sld [smem:$0x3FB0]  }
0x2b: {  	s6 =	sld [smem:$0x3FB1]  }
0x2c: {  	s7 =	sld [smem:$0x3FB2]  }
0x2d: {  	s3 =	simm.s32 $0x108;
	s8 =	sld [smem:$0x3FB3]  }
0x2e: {  	s3 =	simm.s32 @!p0 $0x1082;
	s9 =	sld [smem:$0x3FB4]  }
0x2f: {  	lr =	sadd.s32 s0, s3;
	s0 =	sld [smem:$0x3FAB]  }
0x30: {  	s3 =	sld [smem:$0x3FAE]  }
0x31: {  	[smem:$0x3FB7] =	sst s10  }
0x32: {  	s10 =	sld [smem:$0x3FB5];
	_ =	sdelay $0x3  }
0x33: {  	p0 =	seq.s32 s10, $0x1;
	s10 =	sld [smem:$0x3FB7];
	_ =	sdelay $0x3  }
0x34: {  	[smem:$0x3FB7] =	sst s10  }
0x35: {  	s10 =	sld [smem:$0x3FB6];
	_ =	sdelay $0x3  }
0x36: {  	p1 =	seq.s32 s10, $0x1;
	s10 =	sld [smem:$0x3FB7];
	_ =	sdelay $0x3  }
0x37: {  	[smem:$0x3FB7] =	sst s10  }
0x38: {  	s10 =	sld [smem:$0x3FB8]  }
0x39: {  	_ = 	snop;
	(pc) =	sbr.ind lr, $3  }
0x3a: {  	_ = 	snop  }
0x3b: {  	_ = 	snop  }
0x3c: {  	p2 =	seq.s32 s10, $0x1;
	s10 =	sld [smem:$0x3FB7]  }
0x3d: {  	_ =	shalt  }
0x3e: {  	_ =	shalt  }
0x3f: {  	_ =	shalt  }
0x40: {  	_ =	shalt  }
0x41: {  	_ =	shalt  }
0x42: {  	_ =	shalt  }
0x43: {  	_ =	shalt  }
0x44: {  	_ =	shalt  }
0x45: {  	_ =	shalt  }
0x46: {  	_ =	shalt  }
0x47: {  	_ =	shalt  }
0x48: {  	_ =	shalt  }
0x49: {  	_ =	shalt  }
0x4a: {  	_ =	shalt  }
0x4b: {  	_ =	shalt  }
0x4c: {  	_ =	shalt  }
0x4d: {  	_ =	shalt  }
0x4e: {  	_ =	shalt  }
0x4f: {  	_ =	shalt  }
0x50: {  	_ =	shalt  }
0x51: {  	_ =	shalt  }
0x52: {  	_ =	shalt  }
0x53: {  	_ =	shalt  }
0x54: {  	_ =	shalt  }
0x55: {  	_ =	shalt  }
0x56: {  	_ =	shalt  }
0x57: {  	_ =	shalt  }
0x58: {  	_ =	shalt  }
0x59: {  	_ =	shalt  }
0x5a: {  	_ =	shalt  }
0x5b: {  	_ =	shalt  }
0x5c: {  	_ =	shalt  }
0x5d: {  	_ =	shalt  }
0x5e: {  	_ =	shalt  }
0x5f: {  	_ =	shalt  }
0x60: {  	_ =	shalt  }
0x61: {  	_ =	shalt  }
0x62: {  	_ =	shalt  }
0x63: {  	_ =	shalt  }
0x64: {  	_ =	shalt  }
0x65: {  	_ =	shalt  }
0x66: {  	_ =	shalt  }
0x67: {  	_ =	shalt  }
0x68: {  	_ =	shalt  }
0x69: {  	_ =	shalt  }
0x6a: {  	_ =	shalt  }
0x6b: {  	_ =	shalt  }
0x6c: {  	_ =	shalt  }
0x6d: {  	_ =	shalt  }
0x6e: {  	_ =	shalt  }
0x6f: {  	_ =	shalt  }
0x70: {  	_ =	shalt  }
0x71: {  	_ =	shalt  }
0x72: {  	_ =	shalt  }
0x73: {  	_ =	shalt  }
0x74: {  	_ =	shalt  }
0x75: {  	_ =	shalt  }
0x76: {  	_ =	shalt  }
0x77: {  	_ =	shalt  }
0x78: {  	_ =	shalt  }
0x79: {  	_ =	shalt  }
0x7a: {  	_ =	shalt  }
0x7b: {  	_ =	shalt  }
0x7c: {  	_ =	shalt  }
0x7d: {  	_ =	shalt  }
0x7e: {  	_ =	shalt  }
0x7f: {  	_ =	shalt  }
0x80: {  	_ =	shalt  }
0x81: {  	_ =	shalt  }
0x82: {  	_ =	shalt  }
0x83: {  	_ =	shalt  }
0x84: {  	_ =	shalt  }
0x85: {  	_ =	shalt  }
0x86: {  	_ =	shalt  }
0x87: {  	_ =	shalt  }
.Lfunc_end0:
.L_simem_size_0:
called_computation.3_lowered:
.L_overlay_start_0:
0x88: {  	s2 =	sld [smem:$0x3FD9]  }
0x89: {  	s3 =	sld [smem:$0x3FFE];
	_ =	sdelay $0x1  }
0x8a: {  	s1 =	srdreg.scid  }
0x8b: {  	s0 =	sand.u32 $0x1, s1  }
0x8c: {  	s17 =	sshll.u32 s0, $0xA;
	s2 =	sadd.s32 s3, s2  }
0x8d: {  	s2 =	sadd.s32 s2, s17  }
0x8e: {  	[smem:$0x3FC3] =	sst s2  }
0x8f: {  	_ = 	snop  }
0x90: {  	s2 =	sld [smem:$0x3FD0];
	(tm) =	ssettm $0x1  }
0x91: {  	s18 =	sld [smem:$0x3FFB];
	_ =	sdelay $0x3  }
0x92: {  	_ =	strace s18  }
0x93: {  	s3 =	sld [smem:$0x3FFC];
	_ =	sdelay $0x3  }
0x94: {  	_ =	strace s3  }
0x95: {  	s3 =	sld [smem:$0x3FFD];
	_ =	sdelay $0x3  }
0x96: {  	_ =	strace s3  }
0x97: {  	_ =	strace $0x8FFFFFFF  }
0x98: {  	s19 =	sld [smem:$0x3FDB];
	_ =	sdelay $0x1  }
0x99: {  	s4 =	simm.s32 $_scs_section_size  }
0x9a: {  	s5 =	simm.s32 $_size__tile_overlayer_lowered;
	s6 =	simm.s32 $_tile_overlayer_lowered  }
0x9b: {  	s22 =	simm.s32 $0x1BFF;
	s21 =	sshll.u32 s6, $0x1;
	s3 =	sadd.s32 s4, s19  }
0x9c: {  	s7 =	simm.s32 $0x0;
	s20 =	sshll.u32 s5, $0x1;
	s5 =	sadd.s32 s21, s3  }
0x9d: {  	[timem:s7], [sflag:s22] =	dma.local [hbm:s5], s20  }
0x9e: {  	_ =	swait.ge [sflag:s22], s20  }
0x9f: {  	s4 =	ssub.s32 $0x0, s20;
	[sflag:s22] =	ssyncset.done $0x0  }
0xa0: {  	[sflag:s22] =	ssyncadd.s32 s4;
	_ =	sdelay $0x1  }
0xa1: {  	s23 =	simm.s32 $0x1B8B  }
0xa2: {  	_ =	swait.ge [sflag:s23], $0x1  }
0xa3: {  	[sflag:s23] =	ssyncset.done $0x0  }
0xa4: {  	s25 =	simm.s32 $0x1B8E;
	s24 =	sld [smem:$0x3FFE];
	[sflag:s23] =	ssyncadd.s32 $0xFFFFFFFF  }
0xa5: {  	s26 =	simm.s32 $execute0_lowered;
	[smem:$0x3FD2] =	sst s25  }
0xa6: {  	s5 =	sshll.u32 s26, $0x1;
	_ =	strace $0x80000046;
	[dreg:$0x1] =	wrdreg $0xFFFFFFFF  }
0xa7: {  	s28 =	simm.s32 $_size_execute0_lowered;
	s3 =	sadd.s32 s3, s5;
	[dreg:$0x0] =	wrdreg $0x0  }
0xa8: {  	s5 =	sshll.u32 s28, $0x1;
	[dreg:$0x2] =	wrdreg s3  }
0xa9: {  	[dreg:$0x3] =	wrdreg s5  }
0xaa: {  	[dreg:$0x4] =	wrdreg $0xC0  }
0xab: {  	_ =	task [dreg:s7], $0x5FFFF  }
0xac: {  	[dreg:$0x1] =	wrdreg $0xFFFFFFFF  }
0xad: {  	[dreg:$0x0] =	wrdreg $0x60  }
0xae: {  	[dreg:$0x2] =	wrdreg s2  }
0xaf: {  	[dreg:$0x3] =	wrdreg s24  }
0xb0: {  	[dreg:$0x4] =	wrdreg $0xC  }
0xb1: {  	_ =	task.clear_ibuf [dreg:s7], $0x5FFFF;
	_ =	strace $0x90000046  }
0xb2: {  	s29 =	simm.s32 $0xC;
	_ =	strace $0x80000048  }
0xb3: {  	_ =	swait.ge [sflag:s29], $0x1  }
0xb4: {  	[sflag:s29] =	ssyncadd.s32 $0xFFFFFFFF  }
0xb5: {  	_ =	strace $0x90000048  }
0xb6: {  	_ =	sfence  }
0xb7: {  	s30 =	sld [smem:$0x0];
	_ =	sdelay $0x2  }
0xb8: {  	s31 =	sshll.u32 s1, $0xD;
	s1 =	sshrl.u32 s1, $0x2  }
0xb9: {  	s3 =	sand.u32 $0x4000, s31;
	s1 =	sadd.s32 s1, s30  }
0xba: {  	s0 =	sor.u32 s3, s0;
	s1 =	sshll.u32 s1, $0x11  }
0xbb: {  	s0 =	sor.u32 s1, s0  }
0xbc: {  	s0 =	sadd.s32 $0x8F2B, s0  }
0xbd: {  	[sflag:s0] =	ssyncadd.remote.s32 $0x1  }
0xbe: {  	_ =	sfence.sel $0xFFFF  }
0xbf: {  	[dreg:$0x0] =	wrdreg $0xFFFFFFFF;
	(pc) =	sbr.abs _section_cstart, $3  }
0xc0: {  	[dreg:$0x1] =	wrdreg $0xFFFFFFFF  }
0xc1: {  	_ =	task.clear_ibuf [dreg:s7], $0x2FFFF;
	_ =	strace $0x9FFFFFFF  }
0xc2: {  	(tm) =	ssettm $0x7FFFFFFF  }
0xc3: {  	_ =	shalt  }
tec
execute0_lowered:
.L_overlay_start_1:
0x0: {  	(tag) =	ssettag $0x1  }
0x1: {  	s2 =	rddreg [dreg:$0x0]  }
0x2: {  	s4 =	rddreg [dreg:$0x1]  }
0x3: {  	s0 =	rddreg [dreg:$0x2];
	s5 =	srdreg.scid  }
0x4: {  	s1 =	stileid.u32;
	s3 =	simm.s32 $0x0;
	s10 =	simm.s32 $0x1080  }
0x5: {  	s11 =	simm.s32 $0x1880;
	s12 =	simm.s32 $0x2080;
	s13 =	simm.s32 $0x2880  }
0x6: {  	s14 =	simm.s32 $0x3080;
	s15 =	simm.s32 $0x3880;
	s16 =	simm.s32 $0x4080  }
0x7: {  	s17 =	simm.s32 $0x4880;
	s18 =	simm.s32 $0x5080;
	s19 =	simm.s32 $0x5880  }
0x8: {  	s20 =	simm.s32 $0x6080;
	s21 =	simm.s32 $0x6880;
	s22 =	simm.s32 $0x7080  }
0x9: {  	s23 =	simm.s32 $0x7880;
	s24 =	simm.s32 $0x1;
	s6 =	smul.u32 $0x900, s1  }
0xa: {  	s25 =	simm.s32 $0x0;
	s5 =	sand.u32 $0x1, s5;
	s8 =	smul.u32 $0x12000, s1  }
0xb: {  	[smem:$0x7FF] =	sst s3;
	s7 =	smul.u32 $0x480, s5;
	s9 =	ssub.s32 $0x2, s5  }
0xc: {  	_ =	strace $0x80000047;
	s5 =	smul.u32 $0x9000, s5;
	s31 =	sshrl.u32 s9, $0x1  }
0xd: {  	s8 =	sadd.s32 s8, s4;
	s6 =	sadd.s32 s7, s6;
	s7 =	ssub.s32 s9, s31  }
0xe: {  	v2 =	vlaneseq.u32;
	s5 =	sadd.s32 s5, s8;
	s8 =	simm.s32 $0x80;
	s6 =	sshrl.u32 s6, $0x3  }
0xf: {  	vm0 =	vmmov $0xffff;
	v1 =	vshrl.u32 v2, $0x3;
	s9 =	simm.s32 $0x880;
	s5 =	sadd.s32 $0x35C00, s5;
	s6 =	sadd.s32 s6, s4  }
0x10: {  	v0 =	vand.u32 $0x7, v2;
	v2 =	vor.u32 $0x8, v2;
	v1 =	vmul.u32 $0x8, v1;
	s4 =	smax.u32 s7, $0x1;
	s7 =	simm.s32 $0x2;
	s6 =	sadd.s32 $0x34A00, s6  }
.LBB2_1:
0x11: {  	s26 =	smov.u32 s5;
	s28 =	simm.s32 $0x0  }
.LBB2_2:
0x12: {  	s29 =	sadd.s32 s28, s6  }
0x13: {  	[tilespmem:s3], [sflag:$0x2] =	stream.linear.gather [hbm4b:s29+s3], $0x80, $0x38;
	[tilespmem:$0x8080] =	vst v63  }
0x14: {  	_ =	swait.ge [sflag:s7], $0x80  }
0x15: {  	[sflag:s7] =	ssyncset.done $0x0  }
0x16: {  	[sflag:s7] =	ssyncadd.s32 $0xFFFFFF80  }
0x17: {  	v3 =	vld [tilespmem:$0x0];
	_ =	sdelay $0x4  }
0x18: {  	v4 =	vshll.u32 v3, $0x1  }
0x19: {  	v3 =	vand.u32 $0x7, v3;
	v4 =	vand.u32 $0xFFFFFFF0, v4  }
0x1a: {  	v3 =	vor.u32 v3, v4  }
0x1b: {  	v4 =	vperm.xlane v3, v0;
	_ =	sdelay $0x1  }
0x1c: {  	v3 =	vperm.xlane v3, v2;
	v4 =	vadd.s32 v1, v4;
	_ =	sdelay $0x1  }
0x1d: {  	v3 =	vadd.s32 v1, v3;
	_ =	sdelay $0x2  }
0x1e: {  	[tilespmem:s8], [sflag:$0x1] =	stream.indirect_vreg.gather [hbm4b:s2+s3], $0x80, v4, vm0, $0xb8;
	[tilespmem:$0x8080] =	vst v63  }
0x1f: {  	_ = 	snop  }
0x20: {  	[tilespmem:s9], [sflag:$0x1] =	stream.indirect_vreg.gather [hbm4b:s2+s3], $0x80, v3, vm0, $0xb8;
	[tilespmem:$0x8080] =	vst v63  }
0x21: {  	v3 =	vld [tilespmem:$0x10];
	_ =	sdelay $0x4  }
0x22: {  	v57 =	vshll.u32 v3, $0x1  }
0x23: {  	v3 =	vand.u32 $0x7, v3;
	v4 =	vand.u32 $0xFFFFFFF0, v57  }
0x24: {  	v3 =	vor.u32 v3, v4  }
0x25: {  	v4 =	vperm.xlane v3, v0;
	_ =	sdelay $0x1  }
0x26: {  	v3 =	vperm.xlane v3, v2;
	v4 =	vadd.s32 v1, v4;
	_ =	sdelay $0x1  }
0x27: {  	v3 =	vadd.s32 v1, v3;
	_ =	sdelay $0x2  }
0x28: {  	[tilespmem:s10], [sflag:$0x1] =	stream.indirect_vreg.gather [hbm4b:s2+s3], $0x80, v4, vm0, $0xb8;
	[tilespmem:$0x8080] =	vst v63  }
0x29: {  	_ = 	snop  }
0x2a: {  	[tilespmem:s11], [sflag:$0x1] =	stream.indirect_vreg.gather [hbm4b:s2+s3], $0x80, v3, vm0, $0xb8;
	[tilespmem:$0x8080] =	vst v63  }
0x2b: {  	v3 =	vld [tilespmem:$0x20];
	_ =	sdelay $0x4  }
0x2c: {  	v58 =	vshll.u32 v3, $0x1  }
0x2d: {  	v3 =	vand.u32 $0x7, v3;
	v4 =	vand.u32 $0xFFFFFFF0, v58  }
0x2e: {  	v3 =	vor.u32 v3, v4  }
0x2f: {  	v4 =	vperm.xlane v3, v0;
	_ =	sdelay $0x1  }
0x30: {  	v3 =	vperm.xlane v3, v2;
	v4 =	vadd.s32 v1, v4;
	_ =	sdelay $0x1  }
0x31: {  	v3 =	vadd.s32 v1, v3;
	_ =	sdelay $0x2  }
0x32: {  	[tilespmem:s12], [sflag:$0x1] =	stream.indirect_vreg.gather [hbm4b:s2+s3], $0x80, v4, vm0, $0xb8;
	[tilespmem:$0x8080] =	vst v63  }
0x33: {  	_ = 	snop  }
0x34: {  	[tilespmem:s13], [sflag:$0x1] =	stream.indirect_vreg.gather [hbm4b:s2+s3], $0x80, v3, vm0, $0xb8;
	[tilespmem:$0x8080] =	vst v63  }
0x35: {  	v3 =	vld [tilespmem:$0x30];
	_ =	sdelay $0x4  }
0x36: {  	v59 =	vshll.u32 v3, $0x1  }
0x37: {  	v3 =	vand.u32 $0x7, v3;
	v4 =	vand.u32 $0xFFFFFFF0, v59  }
0x38: {  	v3 =	vor.u32 v3, v4  }
0x39: {  	v4 =	vperm.xlane v3, v0;
	_ =	sdelay $0x1  }
0x3a: {  	v3 =	vperm.xlane v3, v2;
	v4 =	vadd.s32 v1, v4;
	_ =	sdelay $0x1  }
0x3b: {  	v3 =	vadd.s32 v1, v3;
	_ =	sdelay $0x2  }
0x3c: {  	[tilespmem:s14], [sflag:$0x1] =	stream.indirect_vreg.gather [hbm4b:s2+s3], $0x80, v4, vm0, $0xb8;
	[tilespmem:$0x8080] =	vst v63  }
0x3d: {  	_ = 	snop  }
0x3e: {  	[tilespmem:s15], [sflag:$0x1] =	stream.indirect_vreg.gather [hbm4b:s2+s3], $0x80, v3, vm0, $0xb8;
	[tilespmem:$0x8080] =	vst v63  }
0x3f: {  	v3 =	vld [tilespmem:$0x40];
	_ =	sdelay $0x4  }
0x40: {  	v60 =	vshll.u32 v3, $0x1  }
0x41: {  	v3 =	vand.u32 $0x7, v3;
	v4 =	vand.u32 $0xFFFFFFF0, v60  }
0x42: {  	v3 =	vor.u32 v3, v4  }
0x43: {  	v4 =	vperm.xlane v3, v0;
	_ =	sdelay $0x1  }
0x44: {  	v3 =	vperm.xlane v3, v2;
	v4 =	vadd.s32 v1, v4;
	_ =	sdelay $0x1  }
0x45: {  	v3 =	vadd.s32 v1, v3;
	_ =	sdelay $0x2  }
0x46: {  	[tilespmem:s16], [sflag:$0x1] =	stream.indirect_vreg.gather [hbm4b:s2+s3], $0x80, v4, vm0, $0xb8;
	[tilespmem:$0x8080] =	vst v63  }
0x47: {  	_ = 	snop  }
0x48: {  	[tilespmem:s17], [sflag:$0x1] =	stream.indirect_vreg.gather [hbm4b:s2+s3], $0x80, v3, vm0, $0xb8;
	[tilespmem:$0x8080] =	vst v63  }
0x49: {  	v3 =	vld [tilespmem:$0x50];
	_ =	sdelay $0x4  }
0x4a: {  	v61 =	vshll.u32 v3, $0x1  }
0x4b: {  	v3 =	vand.u32 $0x7, v3;
	v4 =	vand.u32 $0xFFFFFFF0, v61  }
0x4c: {  	v3 =	vor.u32 v3, v4  }
0x4d: {  	v4 =	vperm.xlane v3, v0;
	_ =	sdelay $0x1  }
0x4e: {  	v3 =	vperm.xlane v3, v2;
	v4 =	vadd.s32 v1, v4;
	_ =	sdelay $0x1  }
0x4f: {  	v3 =	vadd.s32 v1, v3;
	_ =	sdelay $0x2  }
0x50: {  	[tilespmem:s18], [sflag:$0x1] =	stream.indirect_vreg.gather [hbm4b:s2+s3], $0x80, v4, vm0, $0xb8;
	[tilespmem:$0x8080] =	vst v63  }
0x51: {  	_ = 	snop  }
0x52: {  	[tilespmem:s19], [sflag:$0x1] =	stream.indirect_vreg.gather [hbm4b:s2+s3], $0x80, v3, vm0, $0xb8;
	[tilespmem:$0x8080] =	vst v63  }
0x53: {  	v3 =	vld [tilespmem:$0x60];
	_ =	sdelay $0x4  }
0x54: {  	v62 =	vshll.u32 v3, $0x1  }
0x55: {  	v3 =	vand.u32 $0x7, v3;
	v4 =	vand.u32 $0xFFFFFFF0, v62  }
0x56: {  	v3 =	vor.u32 v3, v4  }
0x57: {  	v4 =	vperm.xlane v3, v0;
	_ =	sdelay $0x1  }
0x58: {  	v3 =	vperm.xlane v3, v2;
	v4 =	vadd.s32 v1, v4;
	_ =	sdelay $0x1  }
0x59: {  	v3 =	vadd.s32 v1, v3;
	_ =	sdelay $0x2  }
0x5a: {  	[tilespmem:s20], [sflag:$0x1] =	stream.indirect_vreg.gather [hbm4b:s2+s3], $0x80, v4, vm0, $0xb8;
	[tilespmem:$0x8080] =	vst v63  }
0x5b: {  	_ = 	snop  }
0x5c: {  	[tilespmem:s21], [sflag:$0x1] =	stream.indirect_vreg.gather [hbm4b:s2+s3], $0x80, v3, vm0, $0xb8;
	[tilespmem:$0x8080] =	vst v63  }
0x5d: {  	v3 =	vld [tilespmem:$0x70];
	_ =	sdelay $0x4  }
0x5e: {  	v63 =	vshll.u32 v3, $0x1  }
0x5f: {  	v3 =	vand.u32 $0x7, v3;
	v4 =	vand.u32 $0xFFFFFFF0, v63  }
0x60: {  	v3 =	vor.u32 v3, v4  }
0x61: {  	v4 =	vperm.xlane v3, v0;
	_ =	sdelay $0x1  }
0x62: {  	v3 =	vperm.xlane v3, v2;
	v4 =	vadd.s32 v1, v4;
	_ =	sdelay $0x1  }
0x63: {  	v3 =	vadd.s32 v1, v3;
	_ =	sdelay $0x2  }
0x64: {  	[tilespmem:s22], [sflag:$0x1] =	stream.indirect_vreg.gather [hbm4b:s2+s3], $0x80, v4, vm0, $0xb8;
	[tilespmem:$0x8080] =	vst v63  }
0x65: {  	_ = 	snop  }
0x66: {  	[tilespmem:s23], [sflag:$0x1] =	stream.indirect_vreg.gather [hbm4b:s2+s3], $0x80, v3, vm0, $0xb8;
	[tilespmem:$0x8080] =	vst v63  }
0x67: {  	_ =	swait.ge [sflag:s24], $0x8000  }
0x68: {  	p0 =	sne.s32 s28, $0x80;
	[sflag:s24] =	ssyncset.done $0x0  }
.Ltmp0:
0x69: {  	[sflag:s24] =	ssyncadd.s32 $0xFFFF8000;
	(pc) =	sbr.rel @p0 .LBB2_2-.Ltmp0, $4  }
0x6a: {  	[hbm4b:s26+s3] =	stream.linear.scatter [tilespmem:s8], [sflag:$0x2], $0x8000, $0x38;
	[tilespmem:$0x8080] =	vst v63  }
0x6b: {  	_ =	swait.ge [sflag:s7], $0x8000  }
0x6c: {  	[sflag:s7] =	ssyncset.done $0x0  }
0x6d: {  	s28 =	sadd.s32 $0x10, s28;
	s26 =	sadd.s32 $0x1000, s26;
	[sflag:s7] =	ssyncadd.s32 $0xFFFF8000  }
0x6e: {  	s25 =	sadd.s32 $0x1, s25  }
0x6f: {  	p0 =	sne.s32 s25, s4  }
.Ltmp1:
0x70: {  	_ = 	snop;
	(pc) =	sbr.rel @p0 .LBB2_1-.Ltmp1, $1  }
0x71: {  	_ =	sdelay $0x3  }
0x72: {  	_ =	sfence.sel $0x180000  }
0x73: {  	[bflag:$0x0] =	sbarrier.arrive $0xFFFF  }
0x74: {  	p0 =	sne.s32 s1, $0x0;
	_ =	strace $0x90000047  }
0x75: {  	s0 =	sadd.s32 @!p0 $0x100000, s0;
	[bflag:$0x2] =	sbarrier.arrive $0xFFFF  }
0x76: {  	[sflag:s0] =	ssyncadd.tile.s32 @!p0 $0x1;
	_ =	shalt  }
.Lfunc_end2:
_tile_overlayer_lowered:
.L_overlay_start_2:
0x77: {  	(tag) =	ssettag $0x2  }
0x78: {  	s0 =	rddreg [dreg:$0x0];
	s2 =	stileid.u32  }
0x79: {  	s1 =	rddreg [dreg:$0x1];
	p0 =	sne.s32 s2, $0x0  }
0x7a: {  	s3 =	rddreg [dreg:$0x2];
	[bflag:$0x3] =	sbarrier.arrive $0xFFFF;
	s2 =	simm.s32 @!p0 $0x1C02  }
0x7b: {  	[timem:s3], [sflag:s2] =	dma.local @!p0 [hbm:s0], s1  }
0x7c: {  	s0 =	simm.s32 @!p0 $0x2  }
0x7d: {  	_ =	swait.ge @!p0 [sflag:s0], s1  }
0x7e: {  	s1 =	ssub.s32 @!p0 $0x0, s1;
	[sflag:s0] =	ssyncset.done @!p0 $0x0  }
0x7f: {  	[sflag:s0] =	ssyncadd.s32 @!p0 s1  }
0x80: {  	[bflag:$0x3] =	sbarrier.arrive $0xFFFF  }
0x81: {  	_ =	shalt  }

</sc_bundles>
